<compile_context>
chip_gen: v7x
topology: tpu7x:2x2x1
jax: 0.10.2.dev20260603
libtpu: 0.0.44.dev20260713+nightly
codegen_flags: <defaults>
</compile_context>

<pallas_src>
import jax
import jax.numpy as jnp
from jax import lax
from jax.experimental import pallas as pl
from jax.experimental.pallas import tpu as pltpu
from jax.experimental.pallas import tpu_sc as plsc

VOCAB_N = 1000000
EMBED_N = 64
BATCH_N = 4096
X_MAX_C = 100.0
ALPHA_C = 0.75

_NUM_WORKERS = 32
_BPW = BATCH_N // _NUM_WORKERS
_LANES = 16
_NSLOT = 4
_NITER = _BPW // _NSLOT

_ROW_BLOCK = 512


def _sc_body(f_idx, c_idx, fe_t, ce_t, fb_t, cb_t,
             p_out, b_out,
             fi_v, ci_v,
             feb0, feb1, feb2, feb3, ceb0, ceb1, ceb2, ceb3,
             fbb0, fbb1, fbb2, fbb3, cbb0, cbb1, cbb2, cbb3,
             p_v, b_v, sem0, sem1, sem2, sem3):
    febs = (feb0, feb1, feb2, feb3)
    cebs = (ceb0, ceb1, ceb2, ceb3)
    fbbs = (fbb0, fbb1, fbb2, fbb3)
    cbbs = (cbb0, cbb1, cbb2, cbb3)
    sems = (sem0, sem1, sem2, sem3)

    wid = lax.axis_index("s") * 2 + lax.axis_index("c")
    base = wid * _BPW
    pltpu.sync_copy(f_idx.at[pl.ds(base, _BPW)], fi_v.at[pl.ds(0, _BPW)])
    pltpu.sync_copy(c_idx.at[pl.ds(base, _BPW)], ci_v.at[pl.ds(0, _BPW)])

    lanes = lax.iota(jnp.int32, _LANES)

    def fire(s, jf, jc):
        jtf = pl.multiple_of((jf // 128) * 128, 128)
        jtc = pl.multiple_of((jc // 128) * 128, 128)
        pltpu.async_copy(fe_t.at[:, pl.ds(jtf, 128)], febs[s], sems[s])
        pltpu.async_copy(ce_t.at[:, pl.ds(jtc, 128)], cebs[s], sems[s])
        pltpu.async_copy(fb_t.at[0, pl.ds(jtf, 128)], fbbs[s], sems[s])
        pltpu.async_copy(cb_t.at[0, pl.ds(jtc, 128)], cbbs[s], sems[s])

    def wait_slot(s):
        pltpu.make_async_copy(fe_t.at[:, pl.ds(0, 128)], febs[s], sems[s]).wait()
        pltpu.make_async_copy(ce_t.at[:, pl.ds(0, 128)], cebs[s], sems[s]).wait()
        pltpu.make_async_copy(fb_t.at[0, pl.ds(0, 128)], fbbs[s], sems[s]).wait()
        pltpu.make_async_copy(cb_t.at[0, pl.ds(0, 128)], cbbs[s], sems[s]).wait()

    win_f0 = fi_v[pl.ds(0, _LANES)]
    win_c0 = ci_v[pl.ds(0, _LANES)]
    for s in range(_NSLOT):
        fire(s, win_f0[s], win_c0[s])

    def step(t, carry):
        pvec, bvec = carry
        win_f = fi_v[pl.ds(t * _NSLOT, _LANES)]
        win_c = ci_v[pl.ds(t * _NSLOT, _LANES)]
        win_fn = fi_v[pl.ds(t * _NSLOT + _NSLOT, _LANES)]
        win_cn = ci_v[pl.ds(t * _NSLOT + _NSLOT, _LANES)]
        lbase = (t % 4) * _NSLOT
        for s in range(_NSLOT):
            wait_slot(s)
            jl_f = win_f[s] % 128
            jl_c = win_c[s] % 128
            colf = jnp.zeros((_LANES,), jnp.int32) + jl_f
            colc = jnp.zeros((_LANES,), jnp.int32) + jl_c
            acc = jnp.zeros((_LANES,), jnp.float32)
            for g in range(EMBED_N // _LANES):
                rows = lanes + (g * _LANES)
                fv = plsc.load_gather(febs[s], [rows, colf])
                cv = plsc.load_gather(cebs[s], [rows, colc])
                acc = acc + fv * cv
            p_s = jnp.sum(acc)
            fbv = plsc.load_gather(fbbs[s], [colf])
            cbv = plsc.load_gather(cbbs[s], [colc])
            b_s = fbv[0] + cbv[0]

            @pl.when(t < _NITER - 1)
            def _():
                fire(s, win_fn[s], win_cn[s])

            msk = lanes == (lbase + s)
            pvec = jnp.where(msk, p_s, pvec)
            bvec = jnp.where(msk, b_s, bvec)

        @pl.when(t % 4 == 3)
        def _():
            p_v[pl.ds((t // 4) * _LANES, _LANES)] = pvec
            b_v[pl.ds((t // 4) * _LANES, _LANES)] = bvec

        done = (jnp.zeros((_LANES,), jnp.int32) + (t % 4)) == 3
        pvec = jnp.where(done, 0.0, pvec)
        bvec = jnp.where(done, 0.0, bvec)
        return pvec, bvec

    lax.fori_loop(0, _NITER, step,
                  (jnp.zeros((_LANES,), jnp.float32),
                   jnp.zeros((_LANES,), jnp.float32)))

    pltpu.sync_copy(p_v, p_out.at[pl.ds(base, _BPW)])
    pltpu.sync_copy(b_v, b_out.at[pl.ds(base, _BPW)])


def _loss_body(p_ref, c_ref, b_ref, o_ref):
    c = c_ref[...]
    a = p_ref[...] - jnp.log(c)
    w = jnp.minimum(jnp.exp(ALPHA_C * jnp.log(c * (1.0 / X_MAX_C))), 1.0)
    s = a + b_ref[...]
    o_ref[...] = w * (s * s)


def kernel(focal_input, context_input, cooccurance_count,
           focal_embedding, context_embedding, focal_biases, context_biases):
    fi = focal_input.astype(jnp.int32)
    ci = context_input.astype(jnp.int32)
    cooc = cooccurance_count.astype(jnp.float32)

    emb_buf = pltpu.VMEM((EMBED_N, 128), jnp.float32)
    bias_buf = pltpu.VMEM((128,), jnp.float32)
    sc_gather = pl.kernel(
        _sc_body,
        out_type=(
            jax.ShapeDtypeStruct((BATCH_N,), jnp.float32),
            jax.ShapeDtypeStruct((BATCH_N,), jnp.float32),
        ),
        mesh=plsc.VectorSubcoreMesh(core_axis_name="c", subcore_axis_name="s"),
        compiler_params=pltpu.CompilerParams(needs_layout_passes=False),
        scratch_types=(
            [pltpu.VMEM((_BPW + _LANES,), jnp.int32)] * 2
            + [emb_buf] * 8
            + [bias_buf] * 8
            + [pltpu.VMEM((_BPW,), jnp.float32)] * 2
            + [pltpu.SemaphoreType.DMA] * 4
        ),
    )
    p, b = sc_gather(fi, ci, focal_embedding.T, context_embedding.T,
                     focal_biases.T, context_biases.T)

    out = pl.pallas_call(
        _loss_body,
        grid=(BATCH_N // _ROW_BLOCK,),
        in_specs=[
            pl.BlockSpec((1, BATCH_N), lambda i: (0, 0)),
            pl.BlockSpec((1, BATCH_N), lambda i: (0, 0)),
            pl.BlockSpec((_ROW_BLOCK, 1), lambda i: (i, 0)),
        ],
        out_specs=pl.BlockSpec((_ROW_BLOCK, BATCH_N), lambda i: (i, 0)),
        out_shape=jax.ShapeDtypeStruct((BATCH_N, BATCH_N), jnp.float32),
    )(p.reshape(1, BATCH_N), cooc.reshape(1, BATCH_N), b.reshape(BATCH_N, 1))
    return out

# --- scband reference (transcript-rebuilt; emitter-appended) ---
"""Pipeline reference for scband-glo-ve-29231547416848 (READ-ONLY COPY).

The authoritative reference and input builder live on the scoring server;
editing this copy changes nothing except your own understanding.
"""

import jax, jax.numpy as jnp
import numpy as np

VOCAB = 1000000
EMBED = 64
BATCH = 4096
X_MAX = 100.0
ALPHA = 0.75


def setup_inputs(seed: int = 0) -> dict:
    key = jax.random.key(seed)
    k1, k2, k3, k4, k5, k6, k7 = jax.random.split(key, 7)
    focal_input = jax.random.randint(k1, (BATCH,), 0, VOCAB, dtype=jnp.int64 if jax.config.jax_enable_x64 else jnp.int32)
    context_input = jax.random.randint(k2, (BATCH,), 0, VOCAB, dtype=jnp.int64 if jax.config.jax_enable_x64 else jnp.int32)
    # co-occurrence counts must be strictly positive for log()
    cooccurance_count = jax.random.uniform(k3, (BATCH,), dtype=jnp.float32) * 99.0 + 1.0
    # learned parameters (xavier-normal-ish init)
    std_e = float(np.sqrt(2.0 / (VOCAB + EMBED)))
    std_b = float(np.sqrt(2.0 / (VOCAB + 1)))
    focal_embedding = jax.random.normal(k4, (VOCAB, EMBED), dtype=jnp.float32) * std_e
    context_embedding = jax.random.normal(k5, (VOCAB, EMBED), dtype=jnp.float32) * std_e
    focal_biases = jax.random.normal(k6, (VOCAB, 1), dtype=jnp.float32) * std_b
    context_biases = jax.random.normal(k7, (VOCAB, 1), dtype=jnp.float32) * std_b
    return {
        "focal_input": focal_input,
        "context_input": context_input,
        "cooccurance_count": cooccurance_count,
        "focal_embedding": focal_embedding,
        "context_embedding": context_embedding,
        "focal_biases": focal_biases,
        "context_biases": context_biases,
    }


def reference(focal_input, context_input, cooccurance_count,
              focal_embedding, context_embedding, focal_biases, context_biases):
    focal_embed = jnp.take(focal_embedding, focal_input, axis=0)      # [B, E]
    context_embed = jnp.take(context_embedding, context_input, axis=0)  # [B, E]
    focal_bias = jnp.take(focal_biases, focal_input, axis=0)            # [B, 1]
    context_bias = jnp.take(context_biases, context_input, axis=0)      # [B, 1]
    weight_factor = jnp.power(cooccurance_count / X_MAX, ALPHA)         # [B]
    weight_factor = jnp.minimum(weight_factor, 1.0)
    embedding_products = jnp.sum(focal_embed * context_embed, axis=1)   # [B]
    log_coocurrances = jnp.log(cooccurance_count)                       # [B]
    # NOTE: faithful to the torch module, [B] + [B,1] broadcasts to [B,B]
    loss = weight_factor * (embedding_products + focal_bias + context_bias - log_coocurrances) ** 2
    return loss


if False:  # reference __main__ guard neutralized (emitter)
    out = reference(**setup_inputs())
    print(out.shape, out.dtype)

if __name__ == "__main__":
    import jax
    _d = setup_inputs()
    print(jax.jit(kernel)(*tuple(_d.values())))

</pallas_src>

<mosaic_0001>
#map = affine_map<(d0, d1) -> (0)>
#map1 = affine_map<(d0, d1) -> (0, 0)>
module attributes {stable_mosaic.version = 14 : i64} {
  func.func @_sc_body(%arg0: i32, %arg1: i32, %arg2: memref<4096xi32, #tpu.memory_space<hbm>>, %arg3: memref<4096xi32, #tpu.memory_space<hbm>>, %arg4: memref<64x1000000xf32, #tpu.memory_space<hbm>>, %arg5: memref<64x1000000xf32, #tpu.memory_space<hbm>>, %arg6: memref<1x1000000xf32, #tpu.memory_space<hbm>>, %arg7: memref<1x1000000xf32, #tpu.memory_space<hbm>>, %arg8: memref<4096xf32, #tpu.memory_space<hbm>>, %arg9: memref<4096xf32, #tpu.memory_space<hbm>>, %arg10: memref<144xi32, #tpu.memory_space<vmem>>, %arg11: memref<144xi32, #tpu.memory_space<vmem>>, %arg12: memref<64x128xf32, #tpu.memory_space<vmem>>, %arg13: memref<64x128xf32, #tpu.memory_space<vmem>>, %arg14: memref<64x128xf32, #tpu.memory_space<vmem>>, %arg15: memref<64x128xf32, #tpu.memory_space<vmem>>, %arg16: memref<64x128xf32, #tpu.memory_space<vmem>>, %arg17: memref<64x128xf32, #tpu.memory_space<vmem>>, %arg18: memref<64x128xf32, #tpu.memory_space<vmem>>, %arg19: memref<64x128xf32, #tpu.memory_space<vmem>>, %arg20: memref<128xf32, #tpu.memory_space<vmem>>, %arg21: memref<128xf32, #tpu.memory_space<vmem>>, %arg22: memref<128xf32, #tpu.memory_space<vmem>>, %arg23: memref<128xf32, #tpu.memory_space<vmem>>, %arg24: memref<128xf32, #tpu.memory_space<vmem>>, %arg25: memref<128xf32, #tpu.memory_space<vmem>>, %arg26: memref<128xf32, #tpu.memory_space<vmem>>, %arg27: memref<128xf32, #tpu.memory_space<vmem>>, %arg28: memref<128xf32, #tpu.memory_space<vmem>>, %arg29: memref<128xf32, #tpu.memory_space<vmem>>, %arg30: memref<!tpu.dma_semaphore, #tpu.memory_space<semaphore_mem>>, %arg31: memref<!tpu.dma_semaphore, #tpu.memory_space<semaphore_mem>>, %arg32: memref<!tpu.dma_semaphore, #tpu.memory_space<semaphore_mem>>, %arg33: memref<!tpu.dma_semaphore, #tpu.memory_space<semaphore_mem>>) attributes {dimension_semantics = [#tpu.dimension_semantics<core_parallel>, #tpu.dimension_semantics<subcore_parallel>], iteration_bounds = array<i64: 2, 16>, scalar_prefetch = 0 : i64, scratch_operands = 24 : i64, tpu.core_type = #tpu.core_type<sc_vector_subcore>, window_params = [{transform_indices = #map}, {transform_indices = #map}, {transform_indices = #map1}, {transform_indices = #map1}, {transform_indices = #map1}, {transform_indices = #map1}, {transform_indices = #map}, {transform_indices = #map}]} {
    %mul3A = arith.constant 2 : i32
    %mul3A_0 = arith.muli %arg1, %mul3A : i32
    %add3A = arith.addi %mul3A_0, %arg0 : i32
    %mul3A_1 = arith.constant 128 : i32
    %mul3A_2 = arith.muli %add3A, %mul3A_1 : i32
    "tpu.region"() ({
      %run_scoped3A = tpu.sem_alloc : memref<!tpu.dma_semaphore, #tpu.memory_space<semaphore_mem>>
      %dma_start3A_306 = arith.constant 0 : i32
      %dma_start3A_307 = tpu.memref_slice %arg10[%dma_start3A_306] : memref<144xi32, #tpu.memory_space<vmem>> -> memref<128xi32, #tpu.memory_space<vmem>>
      %dma_start3A_308 = tpu.memref_slice %arg2[%mul3A_2] : memref<4096xi32, #tpu.memory_space<hbm>> -> memref<128xi32, #tpu.memory_space<hbm>>
      %dma_start3A_309 = arith.constant 0 : i32
      %dma_start3A_310 = tpu.memref_slice %arg10[%dma_start3A_309] : memref<144xi32, #tpu.memory_space<vmem>> -> memref<128xi32, #tpu.memory_space<vmem>>
      %dma_start3A_311 = tpu.memref_slice %arg2[%mul3A_2] : memref<4096xi32, #tpu.memory_space<hbm>> -> memref<128xi32, #tpu.memory_space<hbm>>
      tpu.enqueue_dma source(%dma_start3A_311 : memref<128xi32, #tpu.memory_space<hbm>>) target(%dma_start3A_310 : memref<128xi32, #tpu.memory_space<vmem>>) target_semaphore(%run_scoped3A : memref<!tpu.dma_semaphore, #tpu.memory_space<semaphore_mem>>)
      %dma_wait3A = arith.constant 0 : i32
      %dma_wait3A_312 = tpu.memref_slice %arg10[%dma_wait3A] : memref<144xi32, #tpu.memory_space<vmem>> -> memref<128xi32, #tpu.memory_space<vmem>>
      %dma_wait3A_313 = tpu.memref_slice %arg2[%mul3A_2] : memref<4096xi32, #tpu.memory_space<hbm>> -> memref<128xi32, #tpu.memory_space<hbm>>
      %dma_wait3A_314 = arith.constant 0 : i32
      %dma_wait3A_315 = tpu.memref_slice %arg10[%dma_wait3A_314] : memref<144xi32, #tpu.memory_space<vmem>> -> memref<128xi32, #tpu.memory_space<vmem>>
      %dma_wait3A_316 = tpu.memref_slice %arg2[%mul3A_2] : memref<4096xi32, #tpu.memory_space<hbm>> -> memref<128xi32, #tpu.memory_space<hbm>>
      tpu.wait_dma2 semaphore(%run_scoped3A : memref<!tpu.dma_semaphore, #tpu.memory_space<semaphore_mem>>) src(%dma_wait3A_316 : memref<128xi32, #tpu.memory_space<hbm>>) dst(%dma_wait3A_315 : memref<128xi32, #tpu.memory_space<vmem>>)
      tpu.yield
    }) : () -> ()
    "tpu.region"() ({
      %run_scoped3A = tpu.sem_alloc : memref<!tpu.dma_semaphore, #tpu.memory_space<semaphore_mem>>
      %dma_start3A_306 = arith.constant 0 : i32
      %dma_start3A_307 = tpu.memref_slice %arg11[%dma_start3A_306] : memref<144xi32, #tpu.memory_space<vmem>> -> memref<128xi32, #tpu.memory_space<vmem>>
      %dma_start3A_308 = tpu.memref_slice %arg3[%mul3A_2] : memref<4096xi32, #tpu.memory_space<hbm>> -> memref<128xi32, #tpu.memory_space<hbm>>
      %dma_start3A_309 = arith.constant 0 : i32
      %dma_start3A_310 = tpu.memref_slice %arg11[%dma_start3A_309] : memref<144xi32, #tpu.memory_space<vmem>> -> memref<128xi32, #tpu.memory_space<vmem>>
      %dma_start3A_311 = tpu.memref_slice %arg3[%mul3A_2] : memref<4096xi32, #tpu.memory_space<hbm>> -> memref<128xi32, #tpu.memory_space<hbm>>
      tpu.enqueue_dma source(%dma_start3A_311 : memref<128xi32, #tpu.memory_space<hbm>>) target(%dma_start3A_310 : memref<128xi32, #tpu.memory_space<vmem>>) target_semaphore(%run_scoped3A : memref<!tpu.dma_semaphore, #tpu.memory_space<semaphore_mem>>)
      %dma_wait3A = arith.constant 0 : i32
      %dma_wait3A_312 = tpu.memref_slice %arg11[%dma_wait3A] : memref<144xi32, #tpu.memory_space<vmem>> -> memref<128xi32, #tpu.memory_space<vmem>>
      %dma_wait3A_313 = tpu.memref_slice %arg3[%mul3A_2] : memref<4096xi32, #tpu.memory_space<hbm>> -> memref<128xi32, #tpu.memory_space<hbm>>
      %dma_wait3A_314 = arith.constant 0 : i32
      %dma_wait3A_315 = tpu.memref_slice %arg11[%dma_wait3A_314] : memref<144xi32, #tpu.memory_space<vmem>> -> memref<128xi32, #tpu.memory_space<vmem>>
      %dma_wait3A_316 = tpu.memref_slice %arg3[%mul3A_2] : memref<4096xi32, #tpu.memory_space<hbm>> -> memref<128xi32, #tpu.memory_space<hbm>>
      tpu.wait_dma2 semaphore(%run_scoped3A : memref<!tpu.dma_semaphore, #tpu.memory_space<semaphore_mem>>) src(%dma_wait3A_316 : memref<128xi32, #tpu.memory_space<hbm>>) dst(%dma_wait3A_315 : memref<128xi32, #tpu.memory_space<vmem>>)
      tpu.yield
    }) : () -> ()
    %iota3A = tpu.iota {dimensions = array<i32: 0>} : vector<16xi32>
    %get3A = arith.constant 0 : index
    %get3A_3 = tpu.vector_load %arg10[%get3A] {strides = array<i32>} : memref<144xi32, #tpu.memory_space<vmem>>, vector<16xi32>,
    %get3A_4 = arith.constant 0 : index
    %get3A_5 = tpu.vector_load %arg11[%get3A_4] {strides = array<i32>} : memref<144xi32, #tpu.memory_space<vmem>>, vector<16xi32>,
    %slice3A = vector.extract_strided_slice %get3A_3 {offsets = [0], sizes = [1], strides = [1]} : vector<16xi32> to vector<1xi32>
    %squeeze3A = vector.extract %slice3A[0] : i32 from vector<1xi32>
    %slice3A_6 = vector.extract_strided_slice %get3A_5 {offsets = [0], sizes = [1], strides = [1]} : vector<16xi32> to vector<1xi32>
    %squeeze3A_7 = vector.extract %slice3A_6[0] : i32 from vector<1xi32>
    %jit3A = arith.constant 128 : i32
    %div3A = arith.divsi %squeeze3A, %jit3A : i32
    %sign3A = arith.constant 0 : i32
    %sign3A_8 = arith.cmpi sgt, %squeeze3A, %sign3A : i32
    %sign3A_9 = arith.extui %sign3A_8 : i1 to i32
    %sign3A_10 = arith.constant 0 : i32
    %sign3A_11 = arith.cmpi slt, %squeeze3A, %sign3A_10 : i32
    %sign3A_12 = arith.extui %sign3A_11 : i1 to i32
    %sign3A_13 = arith.subi %sign3A_9, %sign3A_12 : i32
    %sign3A_14 = arith.constant 0 : i32
    %sign3A_15 = arith.cmpi sgt, %jit3A, %sign3A_14 : i32
    %sign3A_16 = arith.extui %sign3A_15 : i1 to i32
    %sign3A_17 = arith.constant 0 : i32
    %sign3A_18 = arith.cmpi slt, %jit3A, %sign3A_17 : i32
    %sign3A_19 = arith.extui %sign3A_18 : i1 to i32
    %sign3A_20 = arith.subi %sign3A_16, %sign3A_19 : i32
    %ne3A = arith.cmpi ne, %sign3A_13, %sign3A_20 : i32
    %rem3A = arith.remsi %squeeze3A, %jit3A : i32
    %ne3A_21 = arith.constant 0 : i32
    %ne3A_22 = arith.cmpi ne, %rem3A, %ne3A_21 : i32
    %and3A = arith.andi %ne3A, %ne3A_22 : i1
    %sub3A = arith.constant 1 : i32
    %sub3A_23 = arith.subi %div3A, %sub3A : i32
    %select_n3A = arith.select %and3A, %sub3A_23, %div3A : i32
    %mul3A_24 = arith.constant 128 : i32
    %mul3A_25 = arith.muli %select_n3A, %mul3A_24 : i32
    %multiple_of3A = tpu.assume_multiple %mul3A_25, 128 : i32
    %jit3A_26 = arith.constant 128 : i32
    %div3A_27 = arith.divsi %squeeze3A_7, %jit3A_26 : i32
    %sign3A_28 = arith.constant 0 : i32
    %sign3A_29 = arith.cmpi sgt, %squeeze3A_7, %sign3A_28 : i32
    %sign3A_30 = arith.extui %sign3A_29 : i1 to i32
    %sign3A_31 = arith.constant 0 : i32
    %sign3A_32 = arith.cmpi slt, %squeeze3A_7, %sign3A_31 : i32
    %sign3A_33 = arith.extui %sign3A_32 : i1 to i32
    %sign3A_34 = arith.subi %sign3A_30, %sign3A_33 : i32
    %sign3A_35 = arith.constant 0 : i32
    %sign3A_36 = arith.cmpi sgt, %jit3A_26, %sign3A_35 : i32
    %sign3A_37 = arith.extui %sign3A_36 : i1 to i32
    %sign3A_38 = arith.constant 0 : i32
    %sign3A_39 = arith.cmpi slt, %jit3A_26, %sign3A_38 : i32
    %sign3A_40 = arith.extui %sign3A_39 : i1 to i32
    %sign3A_41 = arith.subi %sign3A_37, %sign3A_40 : i32
    %ne3A_42 = arith.cmpi ne, %sign3A_34, %sign3A_41 : i32
    %rem3A_43 = arith.remsi %squeeze3A_7, %jit3A_26 : i32
    %ne3A_44 = arith.constant 0 : i32
    %ne3A_45 = arith.cmpi ne, %rem3A_43, %ne3A_44 : i32
    %and3A_46 = arith.andi %ne3A_42, %ne3A_45 : i1
    %sub3A_47 = arith.constant 1 : i32
    %sub3A_48 = arith.subi %div3A_27, %sub3A_47 : i32
    %select_n3A_49 = arith.select %and3A_46, %sub3A_48, %div3A_27 : i32
    %mul3A_50 = arith.constant 128 : i32
    %mul3A_51 = arith.muli %select_n3A_49, %mul3A_50 : i32
    %multiple_of3A_52 = tpu.assume_multiple %mul3A_51, 128 : i32
    %dma_start3A = arith.constant 0 : i32
    %dma_start3A_53 = tpu.memref_slice %arg4[%dma_start3A, %multiple_of3A] : memref<64x1000000xf32, #tpu.memory_space<hbm>> -> memref<64x128xf32, #tpu.memory_space<hbm>>
    %dma_start3A_54 = arith.constant 0 : i32
    %dma_start3A_55 = tpu.memref_slice %arg4[%dma_start3A_54, %multiple_of3A] : memref<64x1000000xf32, #tpu.memory_space<hbm>> -> memref<64x128xf32, #tpu.memory_space<hbm>>
    tpu.enqueue_dma source(%dma_start3A_55 : memref<64x128xf32, #tpu.memory_space<hbm>>) target(%arg12 : memref<64x128xf32, #tpu.memory_space<vmem>>) target_semaphore(%arg30 : memref<!tpu.dma_semaphore, #tpu.memory_space<semaphore_mem>>)
    %dma_start3A_56 = arith.constant 0 : i32
    %dma_start3A_57 = tpu.memref_slice %arg5[%dma_start3A_56, %multiple_of3A_52] : memref<64x1000000xf32, #tpu.memory_space<hbm>> -> memref<64x128xf32, #tpu.memory_space<hbm>>
    %dma_start3A_58 = arith.constant 0 : i32
    %dma_start3A_59 = tpu.memref_slice %arg5[%dma_start3A_58, %multiple_of3A_52] : memref<64x1000000xf32, #tpu.memory_space<hbm>> -> memref<64x128xf32, #tpu.memory_space<hbm>>
    tpu.enqueue_dma source(%dma_start3A_59 : memref<64x128xf32, #tpu.memory_space<hbm>>) target(%arg16 : memref<64x128xf32, #tpu.memory_space<vmem>>) target_semaphore(%arg30 : memref<!tpu.dma_semaphore, #tpu.memory_space<semaphore_mem>>)
    %dma_start3A_60 = arith.constant 0 : i32
    %dma_start3A_61 = tpu.memref_slice %arg6[%dma_start3A_60, %multiple_of3A] : memref<1x1000000xf32, #tpu.memory_space<hbm>> -> memref<1x128xf32, #tpu.memory_space<hbm>>
    %dma_start3A_62 = tpu.memref_squeeze %dma_start3A_61 : memref<1x128xf32, #tpu.memory_space<hbm>> -> memref<128xf32, #tpu.memory_space<hbm>>
    %dma_start3A_63 = tpu.memref_slice %arg6[%dma_start3A_60, %multiple_of3A] : memref<1x1000000xf32, #tpu.memory_space<hbm>> -> memref<1x128xf32, #tpu.memory_space<hbm>>
    %dma_start3A_64 = tpu.memref_squeeze %dma_start3A_63 : memref<1x128xf32, #tpu.memory_space<hbm>> -> memref<128xf32, #tpu.memory_space<hbm>>
    tpu.enqueue_dma source(%dma_start3A_64 : memref<128xf32, #tpu.memory_space<hbm>>) target(%arg20 : memref<128xf32, #tpu.memory_space<vmem>>) target_semaphore(%arg30 : memref<!tpu.dma_semaphore, #tpu.memory_space<semaphore_mem>>)
    %dma_start3A_65 = arith.constant 0 : i32
    %dma_start3A_66 = tpu.memref_slice %arg7[%dma_start3A_65, %multiple_of3A_52] : memref<1x1000000xf32, #tpu.memory_space<hbm>> -> memref<1x128xf32, #tpu.memory_space<hbm>>
    %dma_start3A_67 = tpu.memref_squeeze %dma_start3A_66 : memref<1x128xf32, #tpu.memory_space<hbm>> -> memref<128xf32, #tpu.memory_space<hbm>>
    %dma_start3A_68 = tpu.memref_slice %arg7[%dma_start3A_65, %multiple_of3A_52] : memref<1x1000000xf32, #tpu.memory_space<hbm>> -> memref<1x128xf32, #tpu.memory_space<hbm>>
    %dma_start3A_69 = tpu.memref_squeeze %dma_start3A_68 : memref<1x128xf32, #tpu.memory_space<hbm>> -> memref<128xf32, #tpu.memory_space<hbm>>
    tpu.enqueue_dma source(%dma_start3A_69 : memref<128xf32, #tpu.memory_space<hbm>>) target(%arg24 : memref<128xf32, #tpu.memory_space<vmem>>) target_semaphore(%arg30 : memref<!tpu.dma_semaphore, #tpu.memory_space<semaphore_mem>>)
    %slice3A_70 = vector.extract_strided_slice %get3A_3 {offsets = [1], sizes = [1], strides = [1]} : vector<16xi32> to vector<1xi32>
    %squeeze3A_71 = vector.extract %slice3A_70[0] : i32 from vector<1xi32>
    %slice3A_72 = vector.extract_strided_slice %get3A_5 {offsets = [1], sizes = [1], strides = [1]} : vector<16xi32> to vector<1xi32>
    %squeeze3A_73 = vector.extract %slice3A_72[0] : i32 from vector<1xi32>
    %jit3A_74 = arith.constant 128 : i32
    %div3A_75 = arith.divsi %squeeze3A_71, %jit3A_74 : i32
    %sign3A_76 = arith.constant 0 : i32
    %sign3A_77 = arith.cmpi sgt, %squeeze3A_71, %sign3A_76 : i32
    %sign3A_78 = arith.extui %sign3A_77 : i1 to i32
    %sign3A_79 = arith.constant 0 : i32
    %sign3A_80 = arith.cmpi slt, %squeeze3A_71, %sign3A_79 : i32
    %sign3A_81 = arith.extui %sign3A_80 : i1 to i32
    %sign3A_82 = arith.subi %sign3A_78, %sign3A_81 : i32
    %sign3A_83 = arith.constant 0 : i32
    %sign3A_84 = arith.cmpi sgt, %jit3A_74, %sign3A_83 : i32
    %sign3A_85 = arith.extui %sign3A_84 : i1 to i32
    %sign3A_86 = arith.constant 0 : i32
    %sign3A_87 = arith.cmpi slt, %jit3A_74, %sign3A_86 : i32
    %sign3A_88 = arith.extui %sign3A_87 : i1 to i32
    %sign3A_89 = arith.subi %sign3A_85, %sign3A_88 : i32
    %ne3A_90 = arith.cmpi ne, %sign3A_82, %sign3A_89 : i32
    %rem3A_91 = arith.remsi %squeeze3A_71, %jit3A_74 : i32
    %ne3A_92 = arith.constant 0 : i32
    %ne3A_93 = arith.cmpi ne, %rem3A_91, %ne3A_92 : i32
    %and3A_94 = arith.andi %ne3A_90, %ne3A_93 : i1
    %sub3A_95 = arith.constant 1 : i32
    %sub3A_96 = arith.subi %div3A_75, %sub3A_95 : i32
    %select_n3A_97 = arith.select %and3A_94, %sub3A_96, %div3A_75 : i32
    %mul3A_98 = arith.constant 128 : i32
    %mul3A_99 = arith.muli %select_n3A_97, %mul3A_98 : i32
    %multiple_of3A_100 = tpu.assume_multiple %mul3A_99, 128 : i32
    %jit3A_101 = arith.constant 128 : i32
    %div3A_102 = arith.divsi %squeeze3A_73, %jit3A_101 : i32
    %sign3A_103 = arith.constant 0 : i32
    %sign3A_104 = arith.cmpi sgt, %squeeze3A_73, %sign3A_103 : i32
    %sign3A_105 = arith.extui %sign3A_104 : i1 to i32
    %sign3A_106 = arith.constant 0 : i32
    %sign3A_107 = arith.cmpi slt, %squeeze3A_73, %sign3A_106 : i32
    %sign3A_108 = arith.extui %sign3A_107 : i1 to i32
    %sign3A_109 = arith.subi %sign3A_105, %sign3A_108 : i32
    %sign3A_110 = arith.constant 0 : i32
    %sign3A_111 = arith.cmpi sgt, %jit3A_101, %sign3A_110 : i32
    %sign3A_112 = arith.extui %sign3A_111 : i1 to i32
    %sign3A_113 = arith.constant 0 : i32
    %sign3A_114 = arith.cmpi slt, %jit3A_101, %sign3A_113 : i32
    %sign3A_115 = arith.extui %sign3A_114 : i1 to i32
    %sign3A_116 = arith.subi %sign3A_112, %sign3A_115 : i32
    %ne3A_117 = arith.cmpi ne, %sign3A_109, %sign3A_116 : i32
    %rem3A_118 = arith.remsi %squeeze3A_73, %jit3A_101 : i32
    %ne3A_119 = arith.constant 0 : i32
    %ne3A_120 = arith.cmpi ne, %rem3A_118, %ne3A_119 : i32
    %and3A_121 = arith.andi %ne3A_117, %ne3A_120 : i1
    %sub3A_122 = arith.constant 1 : i32
    %sub3A_123 = arith.subi %div3A_102, %sub3A_122 : i32
    %select_n3A_124 = arith.select %and3A_121, %sub3A_123, %div3A_102 : i32
    %mul3A_125 = arith.constant 128 : i32
    %mul3A_126 = arith.muli %select_n3A_124, %mul3A_125 : i32
    %multiple_of3A_127 = tpu.assume_multiple %mul3A_126, 128 : i32
    %dma_start3A_128 = arith.constant 0 : i32
    %dma_start3A_129 = tpu.memref_slice %arg4[%dma_start3A_128, %multiple_of3A_100] : memref<64x1000000xf32, #tpu.memory_space<hbm>> -> memref<64x128xf32, #tpu.memory_space<hbm>>
    %dma_start3A_130 = arith.constant 0 : i32
    %dma_start3A_131 = tpu.memref_slice %arg4[%dma_start3A_130, %multiple_of3A_100] : memref<64x1000000xf32, #tpu.memory_space<hbm>> -> memref<64x128xf32, #tpu.memory_space<hbm>>
    tpu.enqueue_dma source(%dma_start3A_131 : memref<64x128xf32, #tpu.memory_space<hbm>>) target(%arg13 : memref<64x128xf32, #tpu.memory_space<vmem>>) target_semaphore(%arg31 : memref<!tpu.dma_semaphore, #tpu.memory_space<semaphore_mem>>)
    %dma_start3A_132 = arith.constant 0 : i32
    %dma_start3A_133 = tpu.memref_slice %arg5[%dma_start3A_132, %multiple_of3A_127] : memref<64x1000000xf32, #tpu.memory_space<hbm>> -> memref<64x128xf32, #tpu.memory_space<hbm>>
    %dma_start3A_134 = arith.constant 0 : i32
    %dma_start3A_135 = tpu.memref_slice %arg5[%dma_start3A_134, %multiple_of3A_127] : memref<64x1000000xf32, #tpu.memory_space<hbm>> -> memref<64x128xf32, #tpu.memory_space<hbm>>
    tpu.enqueue_dma source(%dma_start3A_135 : memref<64x128xf32, #tpu.memory_space<hbm>>) target(%arg17 : memref<64x128xf32, #tpu.memory_space<vmem>>) target_semaphore(%arg31 : memref<!tpu.dma_semaphore, #tpu.memory_space<semaphore_mem>>)
    %dma_start3A_136 = arith.constant 0 : i32
    %dma_start3A_137 = tpu.memref_slice %arg6[%dma_start3A_136, %multiple_of3A_100] : memref<1x1000000xf32, #tpu.memory_space<hbm>> -> memref<1x128xf32, #tpu.memory_space<hbm>>
    %dma_start3A_138 = tpu.memref_squeeze %dma_start3A_137 : memref<1x128xf32, #tpu.memory_space<hbm>> -> memref<128xf32, #tpu.memory_space<hbm>>
    %dma_start3A_139 = tpu.memref_slice %arg6[%dma_start3A_136, %multiple_of3A_100] : memref<1x1000000xf32, #tpu.memory_space<hbm>> -> memref<1x128xf32, #tpu.memory_space<hbm>>
    %dma_start3A_140 = tpu.memref_squeeze %dma_start3A_139 : memref<1x128xf32, #tpu.memory_space<hbm>> -> memref<128xf32, #tpu.memory_space<hbm>>
    tpu.enqueue_dma source(%dma_start3A_140 : memref<128xf32, #tpu.memory_space<hbm>>) target(%arg21 : memref<128xf32, #tpu.memory_space<vmem>>) target_semaphore(%arg31 : memref<!tpu.dma_semaphore, #tpu.memory_space<semaphore_mem>>)
    %dma_start3A_141 = arith.constant 0 : i32
    %dma_start3A_142 = tpu.memref_slice %arg7[%dma_start3A_141, %multiple_of3A_127] : memref<1x1000000xf32, #tpu.memory_space<hbm>> -> memref<1x128xf32, #tpu.memory_space<hbm>>
    %dma_start3A_143 = tpu.memref_squeeze %dma_start3A_142 : memref<1x128xf32, #tpu.memory_space<hbm>> -> memref<128xf32, #tpu.memory_space<hbm>>
    %dma_start3A_144 = tpu.memref_slice %arg7[%dma_start3A_141, %multiple_of3A_127] : memref<1x1000000xf32, #tpu.memory_space<hbm>> -> memref<1x128xf32, #tpu.memory_space<hbm>>
    %dma_start3A_145 = tpu.memref_squeeze %dma_start3A_144 : memref<1x128xf32, #tpu.memory_space<hbm>> -> memref<128xf32, #tpu.memory_space<hbm>>
    tpu.enqueue_dma source(%dma_start3A_145 : memref<128xf32, #tpu.memory_space<hbm>>) target(%arg25 : memref<128xf32, #tpu.memory_space<vmem>>) target_semaphore(%arg31 : memref<!tpu.dma_semaphore, #tpu.memory_space<semaphore_mem>>)
    %slice3A_146 = vector.extract_strided_slice %get3A_3 {offsets = [2], sizes = [1], strides = [1]} : vector<16xi32> to vector<1xi32>
    %squeeze3A_147 = vector.extract %slice3A_146[0] : i32 from vector<1xi32>
    %slice3A_148 = vector.extract_strided_slice %get3A_5 {offsets = [2], sizes = [1], strides = [1]} : vector<16xi32> to vector<1xi32>
    %squeeze3A_149 = vector.extract %slice3A_148[0] : i32 from vector<1xi32>
    %jit3A_150 = arith.constant 128 : i32
    %div3A_151 = arith.divsi %squeeze3A_147, %jit3A_150 : i32
    %sign3A_152 = arith.constant 0 : i32
    %sign3A_153 = arith.cmpi sgt, %squeeze3A_147, %sign3A_152 : i32
    %sign3A_154 = arith.extui %sign3A_153 : i1 to i32
    %sign3A_155 = arith.constant 0 : i32
    %sign3A_156 = arith.cmpi slt, %squeeze3A_147, %sign3A_155 : i32
    %sign3A_157 = arith.extui %sign3A_156 : i1 to i32
    %sign3A_158 = arith.subi %sign3A_154, %sign3A_157 : i32
    %sign3A_159 = arith.constant 0 : i32
    %sign3A_160 = arith.cmpi sgt, %jit3A_150, %sign3A_159 : i32
    %sign3A_161 = arith.extui %sign3A_160 : i1 to i32
    %sign3A_162 = arith.constant 0 : i32
    %sign3A_163 = arith.cmpi slt, %jit3A_150, %sign3A_162 : i32
    %sign3A_164 = arith.extui %sign3A_163 : i1 to i32
    %sign3A_165 = arith.subi %sign3A_161, %sign3A_164 : i32
    %ne3A_166 = arith.cmpi ne, %sign3A_158, %sign3A_165 : i32
    %rem3A_167 = arith.remsi %squeeze3A_147, %jit3A_150 : i32
    %ne3A_168 = arith.constant 0 : i32
    %ne3A_169 = arith.cmpi ne, %rem3A_167, %ne3A_168 : i32
    %and3A_170 = arith.andi %ne3A_166, %ne3A_169 : i1
    %sub3A_171 = arith.constant 1 : i32
    %sub3A_172 = arith.subi %div3A_151, %sub3A_171 : i32
    %select_n3A_173 = arith.select %and3A_170, %sub3A_172, %div3A_151 : i32
    %mul3A_174 = arith.constant 128 : i32
    %mul3A_175 = arith.muli %select_n3A_173, %mul3A_174 : i32
    %multiple_of3A_176 = tpu.assume_multiple %mul3A_175, 128 : i32
    %jit3A_177 = arith.constant 128 : i32
    %div3A_178 = arith.divsi %squeeze3A_149, %jit3A_177 : i32
    %sign3A_179 = arith.constant 0 : i32
    %sign3A_180 = arith.cmpi sgt, %squeeze3A_149, %sign3A_179 : i32
    %sign3A_181 = arith.extui %sign3A_180 : i1 to i32
    %sign3A_182 = arith.constant 0 : i32
    %sign3A_183 = arith.cmpi slt, %squeeze3A_149, %sign3A_182 : i32
    %sign3A_184 = arith.extui %sign3A_183 : i1 to i32
    %sign3A_185 = arith.subi %sign3A_181, %sign3A_184 : i32
    %sign3A_186 = arith.constant 0 : i32
    %sign3A_187 = arith.cmpi sgt, %jit3A_177, %sign3A_186 : i32
    %sign3A_188 = arith.extui %sign3A_187 : i1 to i32
    %sign3A_189 = arith.constant 0 : i32
    %sign3A_190 = arith.cmpi slt, %jit3A_177, %sign3A_189 : i32
    %sign3A_191 = arith.extui %sign3A_190 : i1 to i32
    %sign3A_192 = arith.subi %sign3A_188, %sign3A_191 : i32
    %ne3A_193 = arith.cmpi ne, %sign3A_185, %sign3A_192 : i32
    %rem3A_194 = arith.remsi %squeeze3A_149, %jit3A_177 : i32
    %ne3A_195 = arith.constant 0 : i32
    %ne3A_196 = arith.cmpi ne, %rem3A_194, %ne3A_195 : i32
    %and3A_197 = arith.andi %ne3A_193, %ne3A_196 : i1
    %sub3A_198 = arith.constant 1 : i32
    %sub3A_199 = arith.subi %div3A_178, %sub3A_198 : i32
    %select_n3A_200 = arith.select %and3A_197, %sub3A_199, %div3A_178 : i32
    %mul3A_201 = arith.constant 128 : i32
    %mul3A_202 = arith.muli %select_n3A_200, %mul3A_201 : i32
    %multiple_of3A_203 = tpu.assume_multiple %mul3A_202, 128 : i32
    %dma_start3A_204 = arith.constant 0 : i32
    %dma_start3A_205 = tpu.memref_slice %arg4[%dma_start3A_204, %multiple_of3A_176] : memref<64x1000000xf32, #tpu.memory_space<hbm>> -> memref<64x128xf32, #tpu.memory_space<hbm>>
    %dma_start3A_206 = arith.constant 0 : i32
    %dma_start3A_207 = tpu.memref_slice %arg4[%dma_start3A_206, %multiple_of3A_176] : memref<64x1000000xf32, #tpu.memory_space<hbm>> -> memref<64x128xf32, #tpu.memory_space<hbm>>
    tpu.enqueue_dma source(%dma_start3A_207 : memref<64x128xf32, #tpu.memory_space<hbm>>) target(%arg14 : memref<64x128xf32, #tpu.memory_space<vmem>>) target_semaphore(%arg32 : memref<!tpu.dma_semaphore, #tpu.memory_space<semaphore_mem>>)
    %dma_start3A_208 = arith.constant 0 : i32
    %dma_start3A_209 = tpu.memref_slice %arg5[%dma_start3A_208, %multiple_of3A_203] : memref<64x1000000xf32, #tpu.memory_space<hbm>> -> memref<64x128xf32, #tpu.memory_space<hbm>>
    %dma_start3A_210 = arith.constant 0 : i32
    %dma_start3A_211 = tpu.memref_slice %arg5[%dma_start3A_210, %multiple_of3A_203] : memref<64x1000000xf32, #tpu.memory_space<hbm>> -> memref<64x128xf32, #tpu.memory_space<hbm>>
    tpu.enqueue_dma source(%dma_start3A_211 : memref<64x128xf32, #tpu.memory_space<hbm>>) target(%arg18 : memref<64x128xf32, #tpu.memory_space<vmem>>) target_semaphore(%arg32 : memref<!tpu.dma_semaphore, #tpu.memory_space<semaphore_mem>>)
    %dma_start3A_212 = arith.constant 0 : i32
    %dma_start3A_213 = tpu.memref_slice %arg6[%dma_start3A_212, %multiple_of3A_176] : memref<1x1000000xf32, #tpu.memory_space<hbm>> -> memref<1x128xf32, #tpu.memory_space<hbm>>
    %dma_start3A_214 = tpu.memref_squeeze %dma_start3A_213 : memref<1x128xf32, #tpu.memory_space<hbm>> -> memref<128xf32, #tpu.memory_space<hbm>>
    %dma_start3A_215 = tpu.memref_slice %arg6[%dma_start3A_212, %multiple_of3A_176] : memref<1x1000000xf32, #tpu.memory_space<hbm>> -> memref<1x128xf32, #tpu.memory_space<hbm>>
    %dma_start3A_216 = tpu.memref_squeeze %dma_start3A_215 : memref<1x128xf32, #tpu.memory_space<hbm>> -> memref<128xf32, #tpu.memory_space<hbm>>
    tpu.enqueue_dma source(%dma_start3A_216 : memref<128xf32, #tpu.memory_space<hbm>>) target(%arg22 : memref<128xf32, #tpu.memory_space<vmem>>) target_semaphore(%arg32 : memref<!tpu.dma_semaphore, #tpu.memory_space<semaphore_mem>>)
    %dma_start3A_217 = arith.constant 0 : i32
    %dma_start3A_218 = tpu.memref_slice %arg7[%dma_start3A_217, %multiple_of3A_203] : memref<1x1000000xf32, #tpu.memory_space<hbm>> -> memref<1x128xf32, #tpu.memory_space<hbm>>
    %dma_start3A_219 = tpu.memref_squeeze %dma_start3A_218 : memref<1x128xf32, #tpu.memory_space<hbm>> -> memref<128xf32, #tpu.memory_space<hbm>>
    %dma_start3A_220 = tpu.memref_slice %arg7[%dma_start3A_217, %multiple_of3A_203] : memref<1x1000000xf32, #tpu.memory_space<hbm>> -> memref<1x128xf32, #tpu.memory_space<hbm>>
    %dma_start3A_221 = tpu.memref_squeeze %dma_start3A_220 : memref<1x128xf32, #tpu.memory_space<hbm>> -> memref<128xf32, #tpu.memory_space<hbm>>
    tpu.enqueue_dma source(%dma_start3A_221 : memref<128xf32, #tpu.memory_space<hbm>>) target(%arg26 : memref<128xf32, #tpu.memory_space<vmem>>) target_semaphore(%arg32 : memref<!tpu.dma_semaphore, #tpu.memory_space<semaphore_mem>>)
    %slice3A_222 = vector.extract_strided_slice %get3A_3 {offsets = [3], sizes = [1], strides = [1]} : vector<16xi32> to vector<1xi32>
    %squeeze3A_223 = vector.extract %slice3A_222[0] : i32 from vector<1xi32>
    %slice3A_224 = vector.extract_strided_slice %get3A_5 {offsets = [3], sizes = [1], strides = [1]} : vector<16xi32> to vector<1xi32>
    %squeeze3A_225 = vector.extract %slice3A_224[0] : i32 from vector<1xi32>
    %jit3A_226 = arith.constant 128 : i32
    %div3A_227 = arith.divsi %squeeze3A_223, %jit3A_226 : i32
    %sign3A_228 = arith.constant 0 : i32
    %sign3A_229 = arith.cmpi sgt, %squeeze3A_223, %sign3A_228 : i32
    %sign3A_230 = arith.extui %sign3A_229 : i1 to i32
    %sign3A_231 = arith.constant 0 : i32
    %sign3A_232 = arith.cmpi slt, %squeeze3A_223, %sign3A_231 : i32
    %sign3A_233 = arith.extui %sign3A_232 : i1 to i32
    %sign3A_234 = arith.subi %sign3A_230, %sign3A_233 : i32
    %sign3A_235 = arith.constant 0 : i32
    %sign3A_236 = arith.cmpi sgt, %jit3A_226, %sign3A_235 : i32
    %sign3A_237 = arith.extui %sign3A_236 : i1 to i32
    %sign3A_238 = arith.constant 0 : i32
    %sign3A_239 = arith.cmpi slt, %jit3A_226, %sign3A_238 : i32
    %sign3A_240 = arith.extui %sign3A_239 : i1 to i32
    %sign3A_241 = arith.subi %sign3A_237, %sign3A_240 : i32
    %ne3A_242 = arith.cmpi ne, %sign3A_234, %sign3A_241 : i32
    %rem3A_243 = arith.remsi %squeeze3A_223, %jit3A_226 : i32
    %ne3A_244 = arith.constant 0 : i32
    %ne3A_245 = arith.cmpi ne, %rem3A_243, %ne3A_244 : i32
    %and3A_246 = arith.andi %ne3A_242, %ne3A_245 : i1
    %sub3A_247 = arith.constant 1 : i32
    %sub3A_248 = arith.subi %div3A_227, %sub3A_247 : i32
    %select_n3A_249 = arith.select %and3A_246, %sub3A_248, %div3A_227 : i32
    %mul3A_250 = arith.constant 128 : i32
    %mul3A_251 = arith.muli %select_n3A_249, %mul3A_250 : i32
    %multiple_of3A_252 = tpu.assume_multiple %mul3A_251, 128 : i32
    %jit3A_253 = arith.constant 128 : i32
    %div3A_254 = arith.divsi %squeeze3A_225, %jit3A_253 : i32
    %sign3A_255 = arith.constant 0 : i32
    %sign3A_256 = arith.cmpi sgt, %squeeze3A_225, %sign3A_255 : i32
    %sign3A_257 = arith.extui %sign3A_256 : i1 to i32
    %sign3A_258 = arith.constant 0 : i32
    %sign3A_259 = arith.cmpi slt, %squeeze3A_225, %sign3A_258 : i32
    %sign3A_260 = arith.extui %sign3A_259 : i1 to i32
    %sign3A_261 = arith.subi %sign3A_257, %sign3A_260 : i32
    %sign3A_262 = arith.constant 0 : i32
    %sign3A_263 = arith.cmpi sgt, %jit3A_253, %sign3A_262 : i32
    %sign3A_264 = arith.extui %sign3A_263 : i1 to i32
    %sign3A_265 = arith.constant 0 : i32
    %sign3A_266 = arith.cmpi slt, %jit3A_253, %sign3A_265 : i32
    %sign3A_267 = arith.extui %sign3A_266 : i1 to i32
    %sign3A_268 = arith.subi %sign3A_264, %sign3A_267 : i32
    %ne3A_269 = arith.cmpi ne, %sign3A_261, %sign3A_268 : i32
    %rem3A_270 = arith.remsi %squeeze3A_225, %jit3A_253 : i32
    %ne3A_271 = arith.constant 0 : i32
    %ne3A_272 = arith.cmpi ne, %rem3A_270, %ne3A_271 : i32
    %and3A_273 = arith.andi %ne3A_269, %ne3A_272 : i1
    %sub3A_274 = arith.constant 1 : i32
    %sub3A_275 = arith.subi %div3A_254, %sub3A_274 : i32
    %select_n3A_276 = arith.select %and3A_273, %sub3A_275, %div3A_254 : i32
    %mul3A_277 = arith.constant 128 : i32
    %mul3A_278 = arith.muli %select_n3A_276, %mul3A_277 : i32
    %multiple_of3A_279 = tpu.assume_multiple %mul3A_278, 128 : i32
    %dma_start3A_280 = arith.constant 0 : i32
    %dma_start3A_281 = tpu.memref_slice %arg4[%dma_start3A_280, %multiple_of3A_252] : memref<64x1000000xf32, #tpu.memory_space<hbm>> -> memref<64x128xf32, #tpu.memory_space<hbm>>
    %dma_start3A_282 = arith.constant 0 : i32
    %dma_start3A_283 = tpu.memref_slice %arg4[%dma_start3A_282, %multiple_of3A_252] : memref<64x1000000xf32, #tpu.memory_space<hbm>> -> memref<64x128xf32, #tpu.memory_space<hbm>>
    tpu.enqueue_dma source(%dma_start3A_283 : memref<64x128xf32, #tpu.memory_space<hbm>>) target(%arg15 : memref<64x128xf32, #tpu.memory_space<vmem>>) target_semaphore(%arg33 : memref<!tpu.dma_semaphore, #tpu.memory_space<semaphore_mem>>)
    %dma_start3A_284 = arith.constant 0 : i32
    %dma_start3A_285 = tpu.memref_slice %arg5[%dma_start3A_284, %multiple_of3A_279] : memref<64x1000000xf32, #tpu.memory_space<hbm>> -> memref<64x128xf32, #tpu.memory_space<hbm>>
    %dma_start3A_286 = arith.constant 0 : i32
    %dma_start3A_287 = tpu.memref_slice %arg5[%dma_start3A_286, %multiple_of3A_279] : memref<64x1000000xf32, #tpu.memory_space<hbm>> -> memref<64x128xf32, #tpu.memory_space<hbm>>
    tpu.enqueue_dma source(%dma_start3A_287 : memref<64x128xf32, #tpu.memory_space<hbm>>) target(%arg19 : memref<64x128xf32, #tpu.memory_space<vmem>>) target_semaphore(%arg33 : memref<!tpu.dma_semaphore, #tpu.memory_space<semaphore_mem>>)
    %dma_start3A_288 = arith.constant 0 : i32
    %dma_start3A_289 = tpu.memref_slice %arg6[%dma_start3A_288, %multiple_of3A_252] : memref<1x1000000xf32, #tpu.memory_space<hbm>> -> memref<1x128xf32, #tpu.memory_space<hbm>>
    %dma_start3A_290 = tpu.memref_squeeze %dma_start3A_289 : memref<1x128xf32, #tpu.memory_space<hbm>> -> memref<128xf32, #tpu.memory_space<hbm>>
    %dma_start3A_291 = tpu.memref_slice %arg6[%dma_start3A_288, %multiple_of3A_252] : memref<1x1000000xf32, #tpu.memory_space<hbm>> -> memref<1x128xf32, #tpu.memory_space<hbm>>
    %dma_start3A_292 = tpu.memref_squeeze %dma_start3A_291 : memref<1x128xf32, #tpu.memory_space<hbm>> -> memref<128xf32, #tpu.memory_space<hbm>>
    tpu.enqueue_dma source(%dma_start3A_292 : memref<128xf32, #tpu.memory_space<hbm>>) target(%arg23 : memref<128xf32, #tpu.memory_space<vmem>>) target_semaphore(%arg33 : memref<!tpu.dma_semaphore, #tpu.memory_space<semaphore_mem>>)
    %dma_start3A_293 = arith.constant 0 : i32
    %dma_start3A_294 = tpu.memref_slice %arg7[%dma_start3A_293, %multiple_of3A_279] : memref<1x1000000xf32, #tpu.memory_space<hbm>> -> memref<1x128xf32, #tpu.memory_space<hbm>>
    %dma_start3A_295 = tpu.memref_squeeze %dma_start3A_294 : memref<1x128xf32, #tpu.memory_space<hbm>> -> memref<128xf32, #tpu.memory_space<hbm>>
    %dma_start3A_296 = tpu.memref_slice %arg7[%dma_start3A_293, %multiple_of3A_279] : memref<1x1000000xf32, #tpu.memory_space<hbm>> -> memref<1x128xf32, #tpu.memory_space<hbm>>
    %dma_start3A_297 = tpu.memref_squeeze %dma_start3A_296 : memref<1x128xf32, #tpu.memory_space<hbm>> -> memref<128xf32, #tpu.memory_space<hbm>>
    tpu.enqueue_dma source(%dma_start3A_297 : memref<128xf32, #tpu.memory_space<hbm>>) target(%arg27 : memref<128xf32, #tpu.memory_space<vmem>>) target_semaphore(%arg33 : memref<!tpu.dma_semaphore, #tpu.memory_space<semaphore_mem>>)
    %broadcast_in_dim3A = arith.constant 0.000000e+00 : f32
    %broadcast_in_dim3A_298 = vector.broadcast %broadcast_in_dim3A : f32 to vector<16xf32>
    %broadcast_in_dim3A_299 = arith.constant 0.000000e+00 : f32
    %broadcast_in_dim3A_300 = vector.broadcast %broadcast_in_dim3A_299 : f32 to vector<16xf32>
    %scan3A = arith.constant 0 : i32
    %scan3A_301 = arith.constant 32 : i32
    %scan3A_302 = arith.addi %scan3A, %scan3A_301 : i32
    %scan3A_303 = arith.constant 1 : i32
    %scan3A_304:2 = scf.for %scan3A_306 = %scan3A to %scan3A_302 step %scan3A_303 iter_args(%scan3A_307 = %broadcast_in_dim3A_298, %scan3A_308 = %broadcast_in_dim3A_300) -> (vector<16xf32>, vector<16xf32>)  : i32 {
      %mul3A_309 = arith.constant 4 : i32
      %mul3A_310 = arith.muli %scan3A_306, %mul3A_309 : i32
      %get3A_311 = arith.index_cast %mul3A_310 : i32 to index
      %get3A_312 = tpu.vector_load %arg10[%get3A_311] {strides = array<i32>} : memref<144xi32, #tpu.memory_space<vmem>>, vector<16xi32>,
      %mul3A_313 = arith.constant 4 : i32
      %mul3A_314 = arith.muli %scan3A_306, %mul3A_313 : i32
      %get3A_315 = arith.index_cast %mul3A_314 : i32 to index
      %get3A_316 = tpu.vector_load %arg11[%get3A_315] {strides = array<i32>} : memref<144xi32, #tpu.memory_space<vmem>>, vector<16xi32>,
      %mul3A_317 = arith.constant 4 : i32
      %mul3A_318 = arith.muli %scan3A_306, %mul3A_317 : i32
      %add3A_319 = arith.constant 4 : i32
      %add3A_320 = arith.addi %mul3A_318, %add3A_319 : i32
      %get3A_321 = arith.index_cast %add3A_320 : i32 to index
      %get3A_322 = tpu.vector_load %arg10[%get3A_321] {strides = array<i32>} : memref<144xi32, #tpu.memory_space<vmem>>, vector<16xi32>,
      %mul3A_323 = arith.constant 4 : i32
      %mul3A_324 = arith.muli %scan3A_306, %mul3A_323 : i32
      %add3A_325 = arith.constant 4 : i32
      %add3A_326 = arith.addi %mul3A_324, %add3A_325 : i32
      %get3A_327 = arith.index_cast %add3A_326 : i32 to index
      %get3A_328 = tpu.vector_load %arg11[%get3A_327] {strides = array<i32>} : memref<144xi32, #tpu.memory_space<vmem>>, vector<16xi32>,
      %jit3A_329 = arith.constant 4 : i32
      %eq3A = arith.constant 0 : i32
      %eq3A_330 = arith.cmpi eq, %jit3A_329, %eq3A : i32
      %jit3A_331 = arith.constant 1 : i32
      %select_n3A_332 = arith.select %eq3A_330, %jit3A_331, %jit3A_329 : i32
      %rem3A_333 = arith.remsi %scan3A_306, %select_n3A_332 : i32
      %ne3A_334 = arith.constant 0 : i32
      %ne3A_335 = arith.cmpi ne, %rem3A_333, %ne3A_334 : i32
      %lt3A = arith.constant 0 : i32
      %lt3A_336 = arith.cmpi slt, %rem3A_333, %lt3A : i32
      %lt3A_337 = arith.constant 0 : i32
      %lt3A_338 = arith.cmpi slt, %select_n3A_332, %lt3A_337 : i32
      %ne3A_339 = arith.xori %lt3A_336, %lt3A_338 : i1
      %and3A_340 = arith.andi %ne3A_339, %ne3A_335 : i1
      %add3A_341 = arith.addi %rem3A_333, %select_n3A_332 : i32
      %select_n3A_342 = arith.select %and3A_340, %add3A_341, %rem3A_333 : i32
      %mul3A_343 = arith.constant 4 : i32
      %mul3A_344 = arith.muli %select_n3A_342, %mul3A_343 : i32
      %dma_wait3A = arith.constant 0 : i32
      %dma_wait3A_345 = arith.constant 0 : i32
      %dma_wait3A_346 = tpu.memref_slice %arg4[%dma_wait3A, %dma_wait3A_345] : memref<64x1000000xf32, #tpu.memory_space<hbm>> -> memref<64x128xf32, #tpu.memory_space<hbm>>
      %dma_wait3A_347 = arith.constant 0 : i32
      %dma_wait3A_348 = arith.constant 0 : i32
      %dma_wait3A_349 = tpu.memref_slice %arg4[%dma_wait3A_347, %dma_wait3A_348] : memref<64x1000000xf32, #tpu.memory_space<hbm>> -> memref<64x128xf32, #tpu.memory_space<hbm>>
      tpu.wait_dma2 semaphore(%arg30 : memref<!tpu.dma_semaphore, #tpu.memory_space<semaphore_mem>>) src(%dma_wait3A_349 : memref<64x128xf32, #tpu.memory_space<hbm>>) dst(%arg12 : memref<64x128xf32, #tpu.memory_space<vmem>>)
      %dma_wait3A_350 = arith.constant 0 : i32
      %dma_wait3A_351 = arith.constant 0 : i32
      %dma_wait3A_352 = tpu.memref_slice %arg5[%dma_wait3A_350, %dma_wait3A_351] : memref<64x1000000xf32, #tpu.memory_space<hbm>> -> memref<64x128xf32, #tpu.memory_space<hbm>>
      %dma_wait3A_353 = arith.constant 0 : i32
      %dma_wait3A_354 = arith.constant 0 : i32
      %dma_wait3A_355 = tpu.memref_slice %arg5[%dma_wait3A_353, %dma_wait3A_354] : memref<64x1000000xf32, #tpu.memory_space<hbm>> -> memref<64x128xf32, #tpu.memory_space<hbm>>
      tpu.wait_dma2 semaphore(%arg30 : memref<!tpu.dma_semaphore, #tpu.memory_space<semaphore_mem>>) src(%dma_wait3A_355 : memref<64x128xf32, #tpu.memory_space<hbm>>) dst(%arg16 : memref<64x128xf32, #tpu.memory_space<vmem>>)
      %dma_wait3A_356 = arith.constant 0 : i32
      %dma_wait3A_357 = arith.constant 0 : i32
      %dma_wait3A_358 = tpu.memref_slice %arg6[%dma_wait3A_356, %dma_wait3A_357] : memref<1x1000000xf32, #tpu.memory_space<hbm>> -> memref<1x128xf32, #tpu.memory_space<hbm>>
      %dma_wait3A_359 = tpu.memref_squeeze %dma_wait3A_358 : memref<1x128xf32, #tpu.memory_space<hbm>> -> memref<128xf32, #tpu.memory_space<hbm>>
      %dma_wait3A_360 = arith.constant 0 : i32
      %dma_wait3A_361 = tpu.memref_slice %arg6[%dma_wait3A_356, %dma_wait3A_360] : memref<1x1000000xf32, #tpu.memory_space<hbm>> -> memref<1x128xf32, #tpu.memory_space<hbm>>
      %dma_wait3A_362 = tpu.memref_squeeze %dma_wait3A_361 : memref<1x128xf32, #tpu.memory_space<hbm>> -> memref<128xf32, #tpu.memory_space<hbm>>
      tpu.wait_dma2 semaphore(%arg30 : memref<!tpu.dma_semaphore, #tpu.memory_space<semaphore_mem>>) src(%dma_wait3A_362 : memref<128xf32, #tpu.memory_space<hbm>>) dst(%arg20 : memref<128xf32, #tpu.memory_space<vmem>>)
      %dma_wait3A_363 = arith.constant 0 : i32
      %dma_wait3A_364 = arith.constant 0 : i32
      %dma_wait3A_365 = tpu.memref_slice %arg7[%dma_wait3A_363, %dma_wait3A_364] : memref<1x1000000xf32, #tpu.memory_space<hbm>> -> memref<1x128xf32, #tpu.memory_space<hbm>>
      %dma_wait3A_366 = tpu.memref_squeeze %dma_wait3A_365 : memref<1x128xf32, #tpu.memory_space<hbm>> -> memref<128xf32, #tpu.memory_space<hbm>>
      %dma_wait3A_367 = arith.constant 0 : i32
      %dma_wait3A_368 = tpu.memref_slice %arg7[%dma_wait3A_363, %dma_wait3A_367] : memref<1x1000000xf32, #tpu.memory_space<hbm>> -> memref<1x128xf32, #tpu.memory_space<hbm>>
      %dma_wait3A_369 = tpu.memref_squeeze %dma_wait3A_368 : memref<1x128xf32, #tpu.memory_space<hbm>> -> memref<128xf32, #tpu.memory_space<hbm>>
      tpu.wait_dma2 semaphore(%arg30 : memref<!tpu.dma_semaphore, #tpu.memory_space<semaphore_mem>>) src(%dma_wait3A_369 : memref<128xf32, #tpu.memory_space<hbm>>) dst(%arg24 : memref<128xf32, #tpu.memory_space<vmem>>)
      %slice3A_370 = vector.extract_strided_slice %get3A_312 {offsets = [0], sizes = [1], strides = [1]} : vector<16xi32> to vector<1xi32>
      %squeeze3A_371 = vector.extract %slice3A_370[0] : i32 from vector<1xi32>
      %jit3A_372 = arith.constant 128 : i32
      %eq3A_373 = arith.constant 0 : i32
      %eq3A_374 = arith.cmpi eq, %jit3A_372, %eq3A_373 : i32
      %jit3A_375 = arith.constant 1 : i32
      %select_n3A_376 = arith.select %eq3A_374, %jit3A_375, %jit3A_372 : i32
      %rem3A_377 = arith.remsi %squeeze3A_371, %select_n3A_376 : i32
      %ne3A_378 = arith.constant 0 : i32
      %ne3A_379 = arith.cmpi ne, %rem3A_377, %ne3A_378 : i32
      %lt3A_380 = arith.constant 0 : i32
      %lt3A_381 = arith.cmpi slt, %rem3A_377, %lt3A_380 : i32
      %lt3A_382 = arith.constant 0 : i32
      %lt3A_383 = arith.cmpi slt, %select_n3A_376, %lt3A_382 : i32
      %ne3A_384 = arith.xori %lt3A_381, %lt3A_383 : i1
      %and3A_385 = arith.andi %ne3A_384, %ne3A_379 : i1
      %add3A_386 = arith.addi %rem3A_377, %select_n3A_376 : i32
      %select_n3A_387 = arith.select %and3A_385, %add3A_386, %rem3A_377 : i32
      %slice3A_388 = vector.extract_strided_slice %get3A_316 {offsets = [0], sizes = [1], strides = [1]} : vector<16xi32> to vector<1xi32>
      %squeeze3A_389 = vector.extract %slice3A_388[0] : i32 from vector<1xi32>
      %jit3A_390 = arith.constant 128 : i32
      %eq3A_391 = arith.constant 0 : i32
      %eq3A_392 = arith.cmpi eq, %jit3A_390, %eq3A_391 : i32
      %jit3A_393 = arith.constant 1 : i32
      %select_n3A_394 = arith.select %eq3A_392, %jit3A_393, %jit3A_390 : i32
      %rem3A_395 = arith.remsi %squeeze3A_389, %select_n3A_394 : i32
      %ne3A_396 = arith.constant 0 : i32
      %ne3A_397 = arith.cmpi ne, %rem3A_395, %ne3A_396 : i32
      %lt3A_398 = arith.constant 0 : i32
      %lt3A_399 = arith.cmpi slt, %rem3A_395, %lt3A_398 : i32
      %lt3A_400 = arith.constant 0 : i32
      %lt3A_401 = arith.cmpi slt, %select_n3A_394, %lt3A_400 : i32
      %ne3A_402 = arith.xori %lt3A_399, %lt3A_401 : i1
      %and3A_403 = arith.andi %ne3A_402, %ne3A_397 : i1
      %add3A_404 = arith.addi %rem3A_395, %select_n3A_394 : i32
      %select_n3A_405 = arith.select %and3A_403, %add3A_404, %rem3A_395 : i32
      %broadcast_in_dim3A_406 = arith.constant 0 : i32
      %broadcast_in_dim3A_407 = vector.broadcast %broadcast_in_dim3A_406 : i32 to vector<16xi32>
      %add3A_408 = vector.broadcast %select_n3A_387 : i32 to vector<16xi32>
      %add3A_409 = arith.addi %broadcast_in_dim3A_407, %add3A_408 : vector<16xi32>
      %broadcast_in_dim3A_410 = arith.constant 0 : i32
      %broadcast_in_dim3A_411 = vector.broadcast %broadcast_in_dim3A_410 : i32 to vector<16xi32>
      %add3A_412 = vector.broadcast %select_n3A_405 : i32 to vector<16xi32>
      %add3A_413 = arith.addi %broadcast_in_dim3A_411, %add3A_412 : vector<16xi32>
      %broadcast_in_dim3A_414 = arith.constant 0.000000e+00 : f32
      %broadcast_in_dim3A_415 = vector.broadcast %broadcast_in_dim3A_414 : f32 to vector<16xf32>
      %add3A_416 = arith.constant 0 : i32
      %add3A_417 = vector.broadcast %add3A_416 : i32 to vector<16xi32>
      %add3A_418 = arith.addi %iota3A, %add3A_417 : vector<16xi32>
      %gather3A = tpu.vector_load_idx %arg12[%add3A_418, %add3A_409] : memref<64x128xf32, #tpu.memory_space<vmem>>[vector<16xi32>, vector<16xi32>], vector<16xf32>,
      %gather3A_419 = tpu.vector_load_idx %arg16[%add3A_418, %add3A_413] : memref<64x128xf32, #tpu.memory_space<vmem>>[vector<16xi32>, vector<16xi32>], vector<16xf32>,
      %mul3A_420 = arith.mulf %gather3A, %gather3A_419 : vector<16xf32>
      %add3A_421 = arith.addf %broadcast_in_dim3A_415, %mul3A_420 : vector<16xf32>
      %add3A_422 = arith.constant 16 : i32
      %add3A_423 = vector.broadcast %add3A_422 : i32 to vector<16xi32>
      %add3A_424 = arith.addi %iota3A, %add3A_423 : vector<16xi32>
      %gather3A_425 = tpu.vector_load_idx %arg12[%add3A_424, %add3A_409] : memref<64x128xf32, #tpu.memory_space<vmem>>[vector<16xi32>, vector<16xi32>], vector<16xf32>,
      %gather3A_426 = tpu.vector_load_idx %arg16[%add3A_424, %add3A_413] : memref<64x128xf32, #tpu.memory_space<vmem>>[vector<16xi32>, vector<16xi32>], vector<16xf32>,
      %mul3A_427 = arith.mulf %gather3A_425, %gather3A_426 : vector<16xf32>
      %add3A_428 = arith.addf %add3A_421, %mul3A_427 : vector<16xf32>
      %add3A_429 = arith.constant 32 : i32
      %add3A_430 = vector.broadcast %add3A_429 : i32 to vector<16xi32>
      %add3A_431 = arith.addi %iota3A, %add3A_430 : vector<16xi32>
      %gather3A_432 = tpu.vector_load_idx %arg12[%add3A_431, %add3A_409] : memref<64x128xf32, #tpu.memory_space<vmem>>[vector<16xi32>, vector<16xi32>], vector<16xf32>,
      %gather3A_433 = tpu.vector_load_idx %arg16[%add3A_431, %add3A_413] : memref<64x128xf32, #tpu.memory_space<vmem>>[vector<16xi32>, vector<16xi32>], vector<16xf32>,
      %mul3A_434 = arith.mulf %gather3A_432, %gather3A_433 : vector<16xf32>
      %add3A_435 = arith.addf %add3A_428, %mul3A_434 : vector<16xf32>
      %add3A_436 = arith.constant 48 : i32
      %add3A_437 = vector.broadcast %add3A_436 : i32 to vector<16xi32>
      %add3A_438 = arith.addi %iota3A, %add3A_437 : vector<16xi32>
      %gather3A_439 = tpu.vector_load_idx %arg12[%add3A_438, %add3A_409] : memref<64x128xf32, #tpu.memory_space<vmem>>[vector<16xi32>, vector<16xi32>], vector<16xf32>,
      %gather3A_440 = tpu.vector_load_idx %arg16[%add3A_438, %add3A_413] : memref<64x128xf32, #tpu.memory_space<vmem>>[vector<16xi32>, vector<16xi32>], vector<16xf32>,
      %mul3A_441 = arith.mulf %gather3A_439, %gather3A_440 : vector<16xf32>
      %add3A_442 = arith.addf %add3A_435, %mul3A_441 : vector<16xf32>
      %reduce_sum3A = arith.constant true
      %reduce_sum3A_443 = vector.broadcast %reduce_sum3A : i1 to vector<16xi1>
      %reduce_sum3A_444 = tpu.scan <sum>, %add3A_442 masked %reduce_sum3A_443 : vector<16xf32>, vector<16xi1> -> vector<16xf32>
      %reduce_sum3A_445 = vector.extract %reduce_sum3A_444[15] : f32 from vector<16xf32>
      %gather3A_446 = tpu.vector_load_idx %arg20[%add3A_409] : memref<128xf32, #tpu.memory_space<vmem>>[vector<16xi32>], vector<16xf32>,
      %gather3A_447 = tpu.vector_load_idx %arg24[%add3A_413] : memref<128xf32, #tpu.memory_space<vmem>>[vector<16xi32>], vector<16xf32>,
      %slice3A_448 = vector.extract_strided_slice %gather3A_446 {offsets = [0], sizes = [1], strides = [1]} : vector<16xf32> to vector<1xf32>
      %squeeze3A_449 = vector.extract %slice3A_448[0] : f32 from vector<1xf32>
      %slice3A_450 = vector.extract_strided_slice %gather3A_447 {offsets = [0], sizes = [1], strides = [1]} : vector<16xf32> to vector<1xf32>
      %squeeze3A_451 = vector.extract %slice3A_450[0] : f32 from vector<1xf32>
      %add3A_452 = arith.addf %squeeze3A_449, %squeeze3A_451 : f32
      %lt3A_453 = arith.constant 31 : i32
      %lt3A_454 = arith.cmpi slt, %scan3A_306, %lt3A_453 : i32
      %convert_element_type3A = arith.extui %lt3A_454 : i1 to i32
      %cond3A = arith.constant 0 : i32
      %cond3A_455 = arith.cmpi ne, %convert_element_type3A, %cond3A : i32
      scf.if %cond3A_455 {
        %slice3A_886 = vector.extract_strided_slice %get3A_322 {offsets = [0], sizes = [1], strides = [1]} : vector<16xi32> to vector<1xi32>
        %squeeze3A_887 = vector.extract %slice3A_886[0] : i32 from vector<1xi32>
        %slice3A_888 = vector.extract_strided_slice %get3A_328 {offsets = [0], sizes = [1], strides = [1]} : vector<16xi32> to vector<1xi32>
        %squeeze3A_889 = vector.extract %slice3A_888[0] : i32 from vector<1xi32>
        %jit3A_890 = arith.constant 128 : i32
        %div3A_891 = arith.divsi %squeeze3A_887, %jit3A_890 : i32
        %sign3A_892 = arith.constant 0 : i32
        %sign3A_893 = arith.cmpi sgt, %squeeze3A_887, %sign3A_892 : i32
        %sign3A_894 = arith.extui %sign3A_893 : i1 to i32
        %sign3A_895 = arith.constant 0 : i32
        %sign3A_896 = arith.cmpi slt, %squeeze3A_887, %sign3A_895 : i32
        %sign3A_897 = arith.extui %sign3A_896 : i1 to i32
        %sign3A_898 = arith.subi %sign3A_894, %sign3A_897 : i32
        %sign3A_899 = arith.constant 0 : i32
        %sign3A_900 = arith.cmpi sgt, %jit3A_890, %sign3A_899 : i32
        %sign3A_901 = arith.extui %sign3A_900 : i1 to i32
        %sign3A_902 = arith.constant 0 : i32
        %sign3A_903 = arith.cmpi slt, %jit3A_890, %sign3A_902 : i32
        %sign3A_904 = arith.extui %sign3A_903 : i1 to i32
        %sign3A_905 = arith.subi %sign3A_901, %sign3A_904 : i32
        %ne3A_906 = arith.cmpi ne, %sign3A_898, %sign3A_905 : i32
        %rem3A_907 = arith.remsi %squeeze3A_887, %jit3A_890 : i32
        %ne3A_908 = arith.constant 0 : i32
        %ne3A_909 = arith.cmpi ne, %rem3A_907, %ne3A_908 : i32
        %and3A_910 = arith.andi %ne3A_906, %ne3A_909 : i1
        %sub3A_911 = arith.constant 1 : i32
        %sub3A_912 = arith.subi %div3A_891, %sub3A_911 : i32
        %select_n3A_913 = arith.select %and3A_910, %sub3A_912, %div3A_891 : i32
        %mul3A_914 = arith.constant 128 : i32
        %mul3A_915 = arith.muli %select_n3A_913, %mul3A_914 : i32
        %multiple_of3A_916 = tpu.assume_multiple %mul3A_915, 128 : i32
        %jit3A_917 = arith.constant 128 : i32
        %div3A_918 = arith.divsi %squeeze3A_889, %jit3A_917 : i32
        %sign3A_919 = arith.constant 0 : i32
        %sign3A_920 = arith.cmpi sgt, %squeeze3A_889, %sign3A_919 : i32
        %sign3A_921 = arith.extui %sign3A_920 : i1 to i32
        %sign3A_922 = arith.constant 0 : i32
        %sign3A_923 = arith.cmpi slt, %squeeze3A_889, %sign3A_922 : i32
        %sign3A_924 = arith.extui %sign3A_923 : i1 to i32
        %sign3A_925 = arith.subi %sign3A_921, %sign3A_924 : i32
        %sign3A_926 = arith.constant 0 : i32
        %sign3A_927 = arith.cmpi sgt, %jit3A_917, %sign3A_926 : i32
        %sign3A_928 = arith.extui %sign3A_927 : i1 to i32
        %sign3A_929 = arith.constant 0 : i32
        %sign3A_930 = arith.cmpi slt, %jit3A_917, %sign3A_929 : i32
        %sign3A_931 = arith.extui %sign3A_930 : i1 to i32
        %sign3A_932 = arith.subi %sign3A_928, %sign3A_931 : i32
        %ne3A_933 = arith.cmpi ne, %sign3A_925, %sign3A_932 : i32
        %rem3A_934 = arith.remsi %squeeze3A_889, %jit3A_917 : i32
        %ne3A_935 = arith.constant 0 : i32
        %ne3A_936 = arith.cmpi ne, %rem3A_934, %ne3A_935 : i32
        %and3A_937 = arith.andi %ne3A_933, %ne3A_936 : i1
        %sub3A_938 = arith.constant 1 : i32
        %sub3A_939 = arith.subi %div3A_918, %sub3A_938 : i32
        %select_n3A_940 = arith.select %and3A_937, %sub3A_939, %div3A_918 : i32
        %mul3A_941 = arith.constant 128 : i32
        %mul3A_942 = arith.muli %select_n3A_940, %mul3A_941 : i32
        %multiple_of3A_943 = tpu.assume_multiple %mul3A_942, 128 : i32
        %dma_start3A_944 = arith.constant 0 : i32
        %dma_start3A_945 = tpu.memref_slice %arg4[%dma_start3A_944, %multiple_of3A_916] : memref<64x1000000xf32, #tpu.memory_space<hbm>> -> memref<64x128xf32, #tpu.memory_space<hbm>>
        %dma_start3A_946 = arith.constant 0 : i32
        %dma_start3A_947 = tpu.memref_slice %arg4[%dma_start3A_946, %multiple_of3A_916] : memref<64x1000000xf32, #tpu.memory_space<hbm>> -> memref<64x128xf32, #tpu.memory_space<hbm>>
        tpu.enqueue_dma source(%dma_start3A_947 : memref<64x128xf32, #tpu.memory_space<hbm>>) target(%arg12 : memref<64x128xf32, #tpu.memory_space<vmem>>) target_semaphore(%arg30 : memref<!tpu.dma_semaphore, #tpu.memory_space<semaphore_mem>>)
        %dma_start3A_948 = arith.constant 0 : i32
        %dma_start3A_949 = tpu.memref_slice %arg5[%dma_start3A_948, %multiple_of3A_943] : memref<64x1000000xf32, #tpu.memory_space<hbm>> -> memref<64x128xf32, #tpu.memory_space<hbm>>
        %dma_start3A_950 = arith.constant 0 : i32
        %dma_start3A_951 = tpu.memref_slice %arg5[%dma_start3A_950, %multiple_of3A_943] : memref<64x1000000xf32, #tpu.memory_space<hbm>> -> memref<64x128xf32, #tpu.memory_space<hbm>>
        tpu.enqueue_dma source(%dma_start3A_951 : memref<64x128xf32, #tpu.memory_space<hbm>>) target(%arg16 : memref<64x128xf32, #tpu.memory_space<vmem>>) target_semaphore(%arg30 : memref<!tpu.dma_semaphore, #tpu.memory_space<semaphore_mem>>)
        %dma_start3A_952 = arith.constant 0 : i32
        %dma_start3A_953 = tpu.memref_slice %arg6[%dma_start3A_952, %multiple_of3A_916] : memref<1x1000000xf32, #tpu.memory_space<hbm>> -> memref<1x128xf32, #tpu.memory_space<hbm>>
        %dma_start3A_954 = tpu.memref_squeeze %dma_start3A_953 : memref<1x128xf32, #tpu.memory_space<hbm>> -> memref<128xf32, #tpu.memory_space<hbm>>
        %dma_start3A_955 = tpu.memref_slice %arg6[%dma_start3A_952, %multiple_of3A_916] : memref<1x1000000xf32, #tpu.memory_space<hbm>> -> memref<1x128xf32, #tpu.memory_space<hbm>>
        %dma_start3A_956 = tpu.memref_squeeze %dma_start3A_955 : memref<1x128xf32, #tpu.memory_space<hbm>> -> memref<128xf32, #tpu.memory_space<hbm>>
        tpu.enqueue_dma source(%dma_start3A_956 : memref<128xf32, #tpu.memory_space<hbm>>) target(%arg20 : memref<128xf32, #tpu.memory_space<vmem>>) target_semaphore(%arg30 : memref<!tpu.dma_semaphore, #tpu.memory_space<semaphore_mem>>)
        %dma_start3A_957 = arith.constant 0 : i32
        %dma_start3A_958 = tpu.memref_slice %arg7[%dma_start3A_957, %multiple_of3A_943] : memref<1x1000000xf32, #tpu.memory_space<hbm>> -> memref<1x128xf32, #tpu.memory_space<hbm>>
        %dma_start3A_959 = tpu.memref_squeeze %dma_start3A_958 : memref<1x128xf32, #tpu.memory_space<hbm>> -> memref<128xf32, #tpu.memory_space<hbm>>
        %dma_start3A_960 = tpu.memref_slice %arg7[%dma_start3A_957, %multiple_of3A_943] : memref<1x1000000xf32, #tpu.memory_space<hbm>> -> memref<1x128xf32, #tpu.memory_space<hbm>>
        %dma_start3A_961 = tpu.memref_squeeze %dma_start3A_960 : memref<1x128xf32, #tpu.memory_space<hbm>> -> memref<128xf32, #tpu.memory_space<hbm>>
        tpu.enqueue_dma source(%dma_start3A_961 : memref<128xf32, #tpu.memory_space<hbm>>) target(%arg24 : memref<128xf32, #tpu.memory_space<vmem>>) target_semaphore(%arg30 : memref<!tpu.dma_semaphore, #tpu.memory_space<semaphore_mem>>)
      } else {
      }
      %add3A_456 = arith.constant 0 : i32
      %add3A_457 = arith.addi %mul3A_344, %add3A_456 : i32
      %eq3A_458 = vector.broadcast %add3A_457 : i32 to vector<16xi32>
      %eq3A_459 = arith.cmpi eq, %iota3A, %eq3A_458 : vector<16xi32>
      %broadcast_in_dim3A_460 = vector.broadcast %reduce_sum3A_445 : f32 to vector<16xf32>
      %select_n3A_461 = arith.select %eq3A_459, %broadcast_in_dim3A_460, %scan3A_307 : vector<16xi1>, vector<16xf32>
      %broadcast_in_dim3A_462 = vector.broadcast %add3A_452 : f32 to vector<16xf32>
      %select_n3A_463 = arith.select %eq3A_459, %broadcast_in_dim3A_462, %scan3A_308 : vector<16xi1>, vector<16xf32>
      %dma_wait3A_464 = arith.constant 0 : i32
      %dma_wait3A_465 = arith.constant 0 : i32
      %dma_wait3A_466 = tpu.memref_slice %arg4[%dma_wait3A_464, %dma_wait3A_465] : memref<64x1000000xf32, #tpu.memory_space<hbm>> -> memref<64x128xf32, #tpu.memory_space<hbm>>
      %dma_wait3A_467 = arith.constant 0 : i32
      %dma_wait3A_468 = arith.constant 0 : i32
      %dma_wait3A_469 = tpu.memref_slice %arg4[%dma_wait3A_467, %dma_wait3A_468] : memref<64x1000000xf32, #tpu.memory_space<hbm>> -> memref<64x128xf32, #tpu.memory_space<hbm>>
      tpu.wait_dma2 semaphore(%arg31 : memref<!tpu.dma_semaphore, #tpu.memory_space<semaphore_mem>>) src(%dma_wait3A_469 : memref<64x128xf32, #tpu.memory_space<hbm>>) dst(%arg13 : memref<64x128xf32, #tpu.memory_space<vmem>>)
      %dma_wait3A_470 = arith.constant 0 : i32
      %dma_wait3A_471 = arith.constant 0 : i32
      %dma_wait3A_472 = tpu.memref_slice %arg5[%dma_wait3A_470, %dma_wait3A_471] : memref<64x1000000xf32, #tpu.memory_space<hbm>> -> memref<64x128xf32, #tpu.memory_space<hbm>>
      %dma_wait3A_473 = arith.constant 0 : i32
      %dma_wait3A_474 = arith.constant 0 : i32
      %dma_wait3A_475 = tpu.memref_slice %arg5[%dma_wait3A_473, %dma_wait3A_474] : memref<64x1000000xf32, #tpu.memory_space<hbm>> -> memref<64x128xf32, #tpu.memory_space<hbm>>
      tpu.wait_dma2 semaphore(%arg31 : memref<!tpu.dma_semaphore, #tpu.memory_space<semaphore_mem>>) src(%dma_wait3A_475 : memref<64x128xf32, #tpu.memory_space<hbm>>) dst(%arg17 : memref<64x128xf32, #tpu.memory_space<vmem>>)
      %dma_wait3A_476 = arith.constant 0 : i32
      %dma_wait3A_477 = arith.constant 0 : i32
      %dma_wait3A_478 = tpu.memref_slice %arg6[%dma_wait3A_476, %dma_wait3A_477] : memref<1x1000000xf32, #tpu.memory_space<hbm>> -> memref<1x128xf32, #tpu.memory_space<hbm>>
      %dma_wait3A_479 = tpu.memref_squeeze %dma_wait3A_478 : memref<1x128xf32, #tpu.memory_space<hbm>> -> memref<128xf32, #tpu.memory_space<hbm>>
      %dma_wait3A_480 = arith.constant 0 : i32
      %dma_wait3A_481 = tpu.memref_slice %arg6[%dma_wait3A_476, %dma_wait3A_480] : memref<1x1000000xf32, #tpu.memory_space<hbm>> -> memref<1x128xf32, #tpu.memory_space<hbm>>
      %dma_wait3A_482 = tpu.memref_squeeze %dma_wait3A_481 : memref<1x128xf32, #tpu.memory_space<hbm>> -> memref<128xf32, #tpu.memory_space<hbm>>
      tpu.wait_dma2 semaphore(%arg31 : memref<!tpu.dma_semaphore, #tpu.memory_space<semaphore_mem>>) src(%dma_wait3A_482 : memref<128xf32, #tpu.memory_space<hbm>>) dst(%arg21 : memref<128xf32, #tpu.memory_space<vmem>>)
      %dma_wait3A_483 = arith.constant 0 : i32
      %dma_wait3A_484 = arith.constant 0 : i32
      %dma_wait3A_485 = tpu.memref_slice %arg7[%dma_wait3A_483, %dma_wait3A_484] : memref<1x1000000xf32, #tpu.memory_space<hbm>> -> memref<1x128xf32, #tpu.memory_space<hbm>>
      %dma_wait3A_486 = tpu.memref_squeeze %dma_wait3A_485 : memref<1x128xf32, #tpu.memory_space<hbm>> -> memref<128xf32, #tpu.memory_space<hbm>>
      %dma_wait3A_487 = arith.constant 0 : i32
      %dma_wait3A_488 = tpu.memref_slice %arg7[%dma_wait3A_483, %dma_wait3A_487] : memref<1x1000000xf32, #tpu.memory_space<hbm>> -> memref<1x128xf32, #tpu.memory_space<hbm>>
      %dma_wait3A_489 = tpu.memref_squeeze %dma_wait3A_488 : memref<1x128xf32, #tpu.memory_space<hbm>> -> memref<128xf32, #tpu.memory_space<hbm>>
      tpu.wait_dma2 semaphore(%arg31 : memref<!tpu.dma_semaphore, #tpu.memory_space<semaphore_mem>>) src(%dma_wait3A_489 : memref<128xf32, #tpu.memory_space<hbm>>) dst(%arg25 : memref<128xf32, #tpu.memory_space<vmem>>)
      %slice3A_490 = vector.extract_strided_slice %get3A_312 {offsets = [1], sizes = [1], strides = [1]} : vector<16xi32> to vector<1xi32>
      %squeeze3A_491 = vector.extract %slice3A_490[0] : i32 from vector<1xi32>
      %jit3A_492 = arith.constant 128 : i32
      %eq3A_493 = arith.constant 0 : i32
      %eq3A_494 = arith.cmpi eq, %jit3A_492, %eq3A_493 : i32
      %jit3A_495 = arith.constant 1 : i32
      %select_n3A_496 = arith.select %eq3A_494, %jit3A_495, %jit3A_492 : i32
      %rem3A_497 = arith.remsi %squeeze3A_491, %select_n3A_496 : i32
      %ne3A_498 = arith.constant 0 : i32
      %ne3A_499 = arith.cmpi ne, %rem3A_497, %ne3A_498 : i32
      %lt3A_500 = arith.constant 0 : i32
      %lt3A_501 = arith.cmpi slt, %rem3A_497, %lt3A_500 : i32
      %lt3A_502 = arith.constant 0 : i32
      %lt3A_503 = arith.cmpi slt, %select_n3A_496, %lt3A_502 : i32
      %ne3A_504 = arith.xori %lt3A_501, %lt3A_503 : i1
      %and3A_505 = arith.andi %ne3A_504, %ne3A_499 : i1
      %add3A_506 = arith.addi %rem3A_497, %select_n3A_496 : i32
      %select_n3A_507 = arith.select %and3A_505, %add3A_506, %rem3A_497 : i32
      %slice3A_508 = vector.extract_strided_slice %get3A_316 {offsets = [1], sizes = [1], strides = [1]} : vector<16xi32> to vector<1xi32>
      %squeeze3A_509 = vector.extract %slice3A_508[0] : i32 from vector<1xi32>
      %jit3A_510 = arith.constant 128 : i32
      %eq3A_511 = arith.constant 0 : i32
      %eq3A_512 = arith.cmpi eq, %jit3A_510, %eq3A_511 : i32
      %jit3A_513 = arith.constant 1 : i32
      %select_n3A_514 = arith.select %eq3A_512, %jit3A_513, %jit3A_510 : i32
      %rem3A_515 = arith.remsi %squeeze3A_509, %select_n3A_514 : i32
      %ne3A_516 = arith.constant 0 : i32
      %ne3A_517 = arith.cmpi ne, %rem3A_515, %ne3A_516 : i32
      %lt3A_518 = arith.constant 0 : i32
      %lt3A_519 = arith.cmpi slt, %rem3A_515, %lt3A_518 : i32
      %lt3A_520 = arith.constant 0 : i32
      %lt3A_521 = arith.cmpi slt, %select_n3A_514, %lt3A_520 : i32
      %ne3A_522 = arith.xori %lt3A_519, %lt3A_521 : i1
      %and3A_523 = arith.andi %ne3A_522, %ne3A_517 : i1
      %add3A_524 = arith.addi %rem3A_515, %select_n3A_514 : i32
      %select_n3A_525 = arith.select %and3A_523, %add3A_524, %rem3A_515 : i32
      %broadcast_in_dim3A_526 = arith.constant 0 : i32
      %broadcast_in_dim3A_527 = vector.broadcast %broadcast_in_dim3A_526 : i32 to vector<16xi32>
      %add3A_528 = vector.broadcast %select_n3A_507 : i32 to vector<16xi32>
      %add3A_529 = arith.addi %broadcast_in_dim3A_527, %add3A_528 : vector<16xi32>
      %broadcast_in_dim3A_530 = arith.constant 0 : i32
      %broadcast_in_dim3A_531 = vector.broadcast %broadcast_in_dim3A_530 : i32 to vector<16xi32>
      %add3A_532 = vector.broadcast %select_n3A_525 : i32 to vector<16xi32>
      %add3A_533 = arith.addi %broadcast_in_dim3A_531, %add3A_532 : vector<16xi32>
      %broadcast_in_dim3A_534 = arith.constant 0.000000e+00 : f32
      %broadcast_in_dim3A_535 = vector.broadcast %broadcast_in_dim3A_534 : f32 to vector<16xf32>
      %add3A_536 = arith.constant 0 : i32
      %add3A_537 = vector.broadcast %add3A_536 : i32 to vector<16xi32>
      %add3A_538 = arith.addi %iota3A, %add3A_537 : vector<16xi32>
      %gather3A_539 = tpu.vector_load_idx %arg13[%add3A_538, %add3A_529] : memref<64x128xf32, #tpu.memory_space<vmem>>[vector<16xi32>, vector<16xi32>], vector<16xf32>,
      %gather3A_540 = tpu.vector_load_idx %arg17[%add3A_538, %add3A_533] : memref<64x128xf32, #tpu.memory_space<vmem>>[vector<16xi32>, vector<16xi32>], vector<16xf32>,
      %mul3A_541 = arith.mulf %gather3A_539, %gather3A_540 : vector<16xf32>
      %add3A_542 = arith.addf %broadcast_in_dim3A_535, %mul3A_541 : vector<16xf32>
      %add3A_543 = arith.constant 16 : i32
      %add3A_544 = vector.broadcast %add3A_543 : i32 to vector<16xi32>
      %add3A_545 = arith.addi %iota3A, %add3A_544 : vector<16xi32>
      %gather3A_546 = tpu.vector_load_idx %arg13[%add3A_545, %add3A_529] : memref<64x128xf32, #tpu.memory_space<vmem>>[vector<16xi32>, vector<16xi32>], vector<16xf32>,
      %gather3A_547 = tpu.vector_load_idx %arg17[%add3A_545, %add3A_533] : memref<64x128xf32, #tpu.memory_space<vmem>>[vector<16xi32>, vector<16xi32>], vector<16xf32>,
      %mul3A_548 = arith.mulf %gather3A_546, %gather3A_547 : vector<16xf32>
      %add3A_549 = arith.addf %add3A_542, %mul3A_548 : vector<16xf32>
      %add3A_550 = arith.constant 32 : i32
      %add3A_551 = vector.broadcast %add3A_550 : i32 to vector<16xi32>
      %add3A_552 = arith.addi %iota3A, %add3A_551 : vector<16xi32>
      %gather3A_553 = tpu.vector_load_idx %arg13[%add3A_552, %add3A_529] : memref<64x128xf32, #tpu.memory_space<vmem>>[vector<16xi32>, vector<16xi32>], vector<16xf32>,
      %gather3A_554 = tpu.vector_load_idx %arg17[%add3A_552, %add3A_533] : memref<64x128xf32, #tpu.memory_space<vmem>>[vector<16xi32>, vector<16xi32>], vector<16xf32>,
      %mul3A_555 = arith.mulf %gather3A_553, %gather3A_554 : vector<16xf32>
      %add3A_556 = arith.addf %add3A_549, %mul3A_555 : vector<16xf32>
      %add3A_557 = arith.constant 48 : i32
      %add3A_558 = vector.broadcast %add3A_557 : i32 to vector<16xi32>
      %add3A_559 = arith.addi %iota3A, %add3A_558 : vector<16xi32>
      %gather3A_560 = tpu.vector_load_idx %arg13[%add3A_559, %add3A_529] : memref<64x128xf32, #tpu.memory_space<vmem>>[vector<16xi32>, vector<16xi32>], vector<16xf32>,
      %gather3A_561 = tpu.vector_load_idx %arg17[%add3A_559, %add3A_533] : memref<64x128xf32, #tpu.memory_space<vmem>>[vector<16xi32>, vector<16xi32>], vector<16xf32>,
      %mul3A_562 = arith.mulf %gather3A_560, %gather3A_561 : vector<16xf32>
      %add3A_563 = arith.addf %add3A_556, %mul3A_562 : vector<16xf32>
      %reduce_sum3A_564 = arith.constant true
      %reduce_sum3A_565 = vector.broadcast %reduce_sum3A_564 : i1 to vector<16xi1>
      %reduce_sum3A_566 = tpu.scan <sum>, %add3A_563 masked %reduce_sum3A_565 : vector<16xf32>, vector<16xi1> -> vector<16xf32>
      %reduce_sum3A_567 = vector.extract %reduce_sum3A_566[15] : f32 from vector<16xf32>
      %gather3A_568 = tpu.vector_load_idx %arg21[%add3A_529] : memref<128xf32, #tpu.memory_space<vmem>>[vector<16xi32>], vector<16xf32>,
      %gather3A_569 = tpu.vector_load_idx %arg25[%add3A_533] : memref<128xf32, #tpu.memory_space<vmem>>[vector<16xi32>], vector<16xf32>,
      %slice3A_570 = vector.extract_strided_slice %gather3A_568 {offsets = [0], sizes = [1], strides = [1]} : vector<16xf32> to vector<1xf32>
      %squeeze3A_571 = vector.extract %slice3A_570[0] : f32 from vector<1xf32>
      %slice3A_572 = vector.extract_strided_slice %gather3A_569 {offsets = [0], sizes = [1], strides = [1]} : vector<16xf32> to vector<1xf32>
      %squeeze3A_573 = vector.extract %slice3A_572[0] : f32 from vector<1xf32>
      %add3A_574 = arith.addf %squeeze3A_571, %squeeze3A_573 : f32
      %lt3A_575 = arith.constant 31 : i32
      %lt3A_576 = arith.cmpi slt, %scan3A_306, %lt3A_575 : i32
      %convert_element_type3A_577 = arith.extui %lt3A_576 : i1 to i32
      %cond3A_578 = arith.constant 0 : i32
      %cond3A_579 = arith.cmpi ne, %convert_element_type3A_577, %cond3A_578 : i32
      scf.if %cond3A_579 {
        %slice3A_886 = vector.extract_strided_slice %get3A_322 {offsets = [1], sizes = [1], strides = [1]} : vector<16xi32> to vector<1xi32>
        %squeeze3A_887 = vector.extract %slice3A_886[0] : i32 from vector<1xi32>
        %slice3A_888 = vector.extract_strided_slice %get3A_328 {offsets = [1], sizes = [1], strides = [1]} : vector<16xi32> to vector<1xi32>
        %squeeze3A_889 = vector.extract %slice3A_888[0] : i32 from vector<1xi32>
        %jit3A_890 = arith.constant 128 : i32
        %div3A_891 = arith.divsi %squeeze3A_887, %jit3A_890 : i32
        %sign3A_892 = arith.constant 0 : i32
        %sign3A_893 = arith.cmpi sgt, %squeeze3A_887, %sign3A_892 : i32
        %sign3A_894 = arith.extui %sign3A_893 : i1 to i32
        %sign3A_895 = arith.constant 0 : i32
        %sign3A_896 = arith.cmpi slt, %squeeze3A_887, %sign3A_895 : i32
        %sign3A_897 = arith.extui %sign3A_896 : i1 to i32
        %sign3A_898 = arith.subi %sign3A_894, %sign3A_897 : i32
        %sign3A_899 = arith.constant 0 : i32
        %sign3A_900 = arith.cmpi sgt, %jit3A_890, %sign3A_899 : i32
        %sign3A_901 = arith.extui %sign3A_900 : i1 to i32
        %sign3A_902 = arith.constant 0 : i32
        %sign3A_903 = arith.cmpi slt, %jit3A_890, %sign3A_902 : i32
        %sign3A_904 = arith.extui %sign3A_903 : i1 to i32
        %sign3A_905 = arith.subi %sign3A_901, %sign3A_904 : i32
        %ne3A_906 = arith.cmpi ne, %sign3A_898, %sign3A_905 : i32
        %rem3A_907 = arith.remsi %squeeze3A_887, %jit3A_890 : i32
        %ne3A_908 = arith.constant 0 : i32
        %ne3A_909 = arith.cmpi ne, %rem3A_907, %ne3A_908 : i32
        %and3A_910 = arith.andi %ne3A_906, %ne3A_909 : i1
        %sub3A_911 = arith.constant 1 : i32
        %sub3A_912 = arith.subi %div3A_891, %sub3A_911 : i32
        %select_n3A_913 = arith.select %and3A_910, %sub3A_912, %div3A_891 : i32
        %mul3A_914 = arith.constant 128 : i32
        %mul3A_915 = arith.muli %select_n3A_913, %mul3A_914 : i32
        %multiple_of3A_916 = tpu.assume_multiple %mul3A_915, 128 : i32
        %jit3A_917 = arith.constant 128 : i32
        %div3A_918 = arith.divsi %squeeze3A_889, %jit3A_917 : i32
        %sign3A_919 = arith.constant 0 : i32
        %sign3A_920 = arith.cmpi sgt, %squeeze3A_889, %sign3A_919 : i32
        %sign3A_921 = arith.extui %sign3A_920 : i1 to i32
        %sign3A_922 = arith.constant 0 : i32
        %sign3A_923 = arith.cmpi slt, %squeeze3A_889, %sign3A_922 : i32
        %sign3A_924 = arith.extui %sign3A_923 : i1 to i32
        %sign3A_925 = arith.subi %sign3A_921, %sign3A_924 : i32
        %sign3A_926 = arith.constant 0 : i32
        %sign3A_927 = arith.cmpi sgt, %jit3A_917, %sign3A_926 : i32
        %sign3A_928 = arith.extui %sign3A_927 : i1 to i32
        %sign3A_929 = arith.constant 0 : i32
        %sign3A_930 = arith.cmpi slt, %jit3A_917, %sign3A_929 : i32
        %sign3A_931 = arith.extui %sign3A_930 : i1 to i32
        %sign3A_932 = arith.subi %sign3A_928, %sign3A_931 : i32
        %ne3A_933 = arith.cmpi ne, %sign3A_925, %sign3A_932 : i32
        %rem3A_934 = arith.remsi %squeeze3A_889, %jit3A_917 : i32
        %ne3A_935 = arith.constant 0 : i32
        %ne3A_936 = arith.cmpi ne, %rem3A_934, %ne3A_935 : i32
        %and3A_937 = arith.andi %ne3A_933, %ne3A_936 : i1
        %sub3A_938 = arith.constant 1 : i32
        %sub3A_939 = arith.subi %div3A_918, %sub3A_938 : i32
        %select_n3A_940 = arith.select %and3A_937, %sub3A_939, %div3A_918 : i32
        %mul3A_941 = arith.constant 128 : i32
        %mul3A_942 = arith.muli %select_n3A_940, %mul3A_941 : i32
        %multiple_of3A_943 = tpu.assume_multiple %mul3A_942, 128 : i32
        %dma_start3A_944 = arith.constant 0 : i32
        %dma_start3A_945 = tpu.memref_slice %arg4[%dma_start3A_944, %multiple_of3A_916] : memref<64x1000000xf32, #tpu.memory_space<hbm>> -> memref<64x128xf32, #tpu.memory_space<hbm>>
        %dma_start3A_946 = arith.constant 0 : i32
        %dma_start3A_947 = tpu.memref_slice %arg4[%dma_start3A_946, %multiple_of3A_916] : memref<64x1000000xf32, #tpu.memory_space<hbm>> -> memref<64x128xf32, #tpu.memory_space<hbm>>
        tpu.enqueue_dma source(%dma_start3A_947 : memref<64x128xf32, #tpu.memory_space<hbm>>) target(%arg13 : memref<64x128xf32, #tpu.memory_space<vmem>>) target_semaphore(%arg31 : memref<!tpu.dma_semaphore, #tpu.memory_space<semaphore_mem>>)
        %dma_start3A_948 = arith.constant 0 : i32
        %dma_start3A_949 = tpu.memref_slice %arg5[%dma_start3A_948, %multiple_of3A_943] : memref<64x1000000xf32, #tpu.memory_space<hbm>> -> memref<64x128xf32, #tpu.memory_space<hbm>>
        %dma_start3A_950 = arith.constant 0 : i32
        %dma_start3A_951 = tpu.memref_slice %arg5[%dma_start3A_950, %multiple_of3A_943] : memref<64x1000000xf32, #tpu.memory_space<hbm>> -> memref<64x128xf32, #tpu.memory_space<hbm>>
        tpu.enqueue_dma source(%dma_start3A_951 : memref<64x128xf32, #tpu.memory_space<hbm>>) target(%arg17 : memref<64x128xf32, #tpu.memory_space<vmem>>) target_semaphore(%arg31 : memref<!tpu.dma_semaphore, #tpu.memory_space<semaphore_mem>>)
        %dma_start3A_952 = arith.constant 0 : i32
        %dma_start3A_953 = tpu.memref_slice %arg6[%dma_start3A_952, %multiple_of3A_916] : memref<1x1000000xf32, #tpu.memory_space<hbm>> -> memref<1x128xf32, #tpu.memory_space<hbm>>
        %dma_start3A_954 = tpu.memref_squeeze %dma_start3A_953 : memref<1x128xf32, #tpu.memory_space<hbm>> -> memref<128xf32, #tpu.memory_space<hbm>>
        %dma_start3A_955 = tpu.memref_slice %arg6[%dma_start3A_952, %multiple_of3A_916] : memref<1x1000000xf32, #tpu.memory_space<hbm>> -> memref<1x128xf32, #tpu.memory_space<hbm>>
        %dma_start3A_956 = tpu.memref_squeeze %dma_start3A_955 : memref<1x128xf32, #tpu.memory_space<hbm>> -> memref<128xf32, #tpu.memory_space<hbm>>
        tpu.enqueue_dma source(%dma_start3A_956 : memref<128xf32, #tpu.memory_space<hbm>>) target(%arg21 : memref<128xf32, #tpu.memory_space<vmem>>) target_semaphore(%arg31 : memref<!tpu.dma_semaphore, #tpu.memory_space<semaphore_mem>>)
        %dma_start3A_957 = arith.constant 0 : i32
        %dma_start3A_958 = tpu.memref_slice %arg7[%dma_start3A_957, %multiple_of3A_943] : memref<1x1000000xf32, #tpu.memory_space<hbm>> -> memref<1x128xf32, #tpu.memory_space<hbm>>
        %dma_start3A_959 = tpu.memref_squeeze %dma_start3A_958 : memref<1x128xf32, #tpu.memory_space<hbm>> -> memref<128xf32, #tpu.memory_space<hbm>>
        %dma_start3A_960 = tpu.memref_slice %arg7[%dma_start3A_957, %multiple_of3A_943] : memref<1x1000000xf32, #tpu.memory_space<hbm>> -> memref<1x128xf32, #tpu.memory_space<hbm>>
        %dma_start3A_961 = tpu.memref_squeeze %dma_start3A_960 : memref<1x128xf32, #tpu.memory_space<hbm>> -> memref<128xf32, #tpu.memory_space<hbm>>
        tpu.enqueue_dma source(%dma_start3A_961 : memref<128xf32, #tpu.memory_space<hbm>>) target(%arg25 : memref<128xf32, #tpu.memory_space<vmem>>) target_semaphore(%arg31 : memref<!tpu.dma_semaphore, #tpu.memory_space<semaphore_mem>>)
      } else {
      }
      %add3A_580 = arith.constant 1 : i32
      %add3A_581 = arith.addi %mul3A_344, %add3A_580 : i32
      %eq3A_582 = vector.broadcast %add3A_581 : i32 to vector<16xi32>
      %eq3A_583 = arith.cmpi eq, %iota3A, %eq3A_582 : vector<16xi32>
      %broadcast_in_dim3A_584 = vector.broadcast %reduce_sum3A_567 : f32 to vector<16xf32>
      %select_n3A_585 = arith.select %eq3A_583, %broadcast_in_dim3A_584, %select_n3A_461 : vector<16xi1>, vector<16xf32>
      %broadcast_in_dim3A_586 = vector.broadcast %add3A_574 : f32 to vector<16xf32>
      %select_n3A_587 = arith.select %eq3A_583, %broadcast_in_dim3A_586, %select_n3A_463 : vector<16xi1>, vector<16xf32>
      %dma_wait3A_588 = arith.constant 0 : i32
      %dma_wait3A_589 = arith.constant 0 : i32
      %dma_wait3A_590 = tpu.memref_slice %arg4[%dma_wait3A_588, %dma_wait3A_589] : memref<64x1000000xf32, #tpu.memory_space<hbm>> -> memref<64x128xf32, #tpu.memory_space<hbm>>
      %dma_wait3A_591 = arith.constant 0 : i32
      %dma_wait3A_592 = arith.constant 0 : i32
      %dma_wait3A_593 = tpu.memref_slice %arg4[%dma_wait3A_591, %dma_wait3A_592] : memref<64x1000000xf32, #tpu.memory_space<hbm>> -> memref<64x128xf32, #tpu.memory_space<hbm>>
      tpu.wait_dma2 semaphore(%arg32 : memref<!tpu.dma_semaphore, #tpu.memory_space<semaphore_mem>>) src(%dma_wait3A_593 : memref<64x128xf32, #tpu.memory_space<hbm>>) dst(%arg14 : memref<64x128xf32, #tpu.memory_space<vmem>>)
      %dma_wait3A_594 = arith.constant 0 : i32
      %dma_wait3A_595 = arith.constant 0 : i32
      %dma_wait3A_596 = tpu.memref_slice %arg5[%dma_wait3A_594, %dma_wait3A_595] : memref<64x1000000xf32, #tpu.memory_space<hbm>> -> memref<64x128xf32, #tpu.memory_space<hbm>>
      %dma_wait3A_597 = arith.constant 0 : i32
      %dma_wait3A_598 = arith.constant 0 : i32
      %dma_wait3A_599 = tpu.memref_slice %arg5[%dma_wait3A_597, %dma_wait3A_598] : memref<64x1000000xf32, #tpu.memory_space<hbm>> -> memref<64x128xf32, #tpu.memory_space<hbm>>
      tpu.wait_dma2 semaphore(%arg32 : memref<!tpu.dma_semaphore, #tpu.memory_space<semaphore_mem>>) src(%dma_wait3A_599 : memref<64x128xf32, #tpu.memory_space<hbm>>) dst(%arg18 : memref<64x128xf32, #tpu.memory_space<vmem>>)
      %dma_wait3A_600 = arith.constant 0 : i32
      %dma_wait3A_601 = arith.constant 0 : i32
      %dma_wait3A_602 = tpu.memref_slice %arg6[%dma_wait3A_600, %dma_wait3A_601] : memref<1x1000000xf32, #tpu.memory_space<hbm>> -> memref<1x128xf32, #tpu.memory_space<hbm>>
      %dma_wait3A_603 = tpu.memref_squeeze %dma_wait3A_602 : memref<1x128xf32, #tpu.memory_space<hbm>> -> memref<128xf32, #tpu.memory_space<hbm>>
      %dma_wait3A_604 = arith.constant 0 : i32
      %dma_wait3A_605 = tpu.memref_slice %arg6[%dma_wait3A_600, %dma_wait3A_604] : memref<1x1000000xf32, #tpu.memory_space<hbm>> -> memref<1x128xf32, #tpu.memory_space<hbm>>
      %dma_wait3A_606 = tpu.memref_squeeze %dma_wait3A_605 : memref<1x128xf32, #tpu.memory_space<hbm>> -> memref<128xf32, #tpu.memory_space<hbm>>
      tpu.wait_dma2 semaphore(%arg32 : memref<!tpu.dma_semaphore, #tpu.memory_space<semaphore_mem>>) src(%dma_wait3A_606 : memref<128xf32, #tpu.memory_space<hbm>>) dst(%arg22 : memref<128xf32, #tpu.memory_space<vmem>>)
      %dma_wait3A_607 = arith.constant 0 : i32
      %dma_wait3A_608 = arith.constant 0 : i32
      %dma_wait3A_609 = tpu.memref_slice %arg7[%dma_wait3A_607, %dma_wait3A_608] : memref<1x1000000xf32, #tpu.memory_space<hbm>> -> memref<1x128xf32, #tpu.memory_space<hbm>>
      %dma_wait3A_610 = tpu.memref_squeeze %dma_wait3A_609 : memref<1x128xf32, #tpu.memory_space<hbm>> -> memref<128xf32, #tpu.memory_space<hbm>>
      %dma_wait3A_611 = arith.constant 0 : i32
      %dma_wait3A_612 = tpu.memref_slice %arg7[%dma_wait3A_607, %dma_wait3A_611] : memref<1x1000000xf32, #tpu.memory_space<hbm>> -> memref<1x128xf32, #tpu.memory_space<hbm>>
      %dma_wait3A_613 = tpu.memref_squeeze %dma_wait3A_612 : memref<1x128xf32, #tpu.memory_space<hbm>> -> memref<128xf32, #tpu.memory_space<hbm>>
      tpu.wait_dma2 semaphore(%arg32 : memref<!tpu.dma_semaphore, #tpu.memory_space<semaphore_mem>>) src(%dma_wait3A_613 : memref<128xf32, #tpu.memory_space<hbm>>) dst(%arg26 : memref<128xf32, #tpu.memory_space<vmem>>)
      %slice3A_614 = vector.extract_strided_slice %get3A_312 {offsets = [2], sizes = [1], strides = [1]} : vector<16xi32> to vector<1xi32>
      %squeeze3A_615 = vector.extract %slice3A_614[0] : i32 from vector<1xi32>
      %jit3A_616 = arith.constant 128 : i32
      %eq3A_617 = arith.constant 0 : i32
      %eq3A_618 = arith.cmpi eq, %jit3A_616, %eq3A_617 : i32
      %jit3A_619 = arith.constant 1 : i32
      %select_n3A_620 = arith.select %eq3A_618, %jit3A_619, %jit3A_616 : i32
      %rem3A_621 = arith.remsi %squeeze3A_615, %select_n3A_620 : i32
      %ne3A_622 = arith.constant 0 : i32
      %ne3A_623 = arith.cmpi ne, %rem3A_621, %ne3A_622 : i32
      %lt3A_624 = arith.constant 0 : i32
      %lt3A_625 = arith.cmpi slt, %rem3A_621, %lt3A_624 : i32
      %lt3A_626 = arith.constant 0 : i32
      %lt3A_627 = arith.cmpi slt, %select_n3A_620, %lt3A_626 : i32
      %ne3A_628 = arith.xori %lt3A_625, %lt3A_627 : i1
      %and3A_629 = arith.andi %ne3A_628, %ne3A_623 : i1
      %add3A_630 = arith.addi %rem3A_621, %select_n3A_620 : i32
      %select_n3A_631 = arith.select %and3A_629, %add3A_630, %rem3A_621 : i32
      %slice3A_632 = vector.extract_strided_slice %get3A_316 {offsets = [2], sizes = [1], strides = [1]} : vector<16xi32> to vector<1xi32>
      %squeeze3A_633 = vector.extract %slice3A_632[0] : i32 from vector<1xi32>
      %jit3A_634 = arith.constant 128 : i32
      %eq3A_635 = arith.constant 0 : i32
      %eq3A_636 = arith.cmpi eq, %jit3A_634, %eq3A_635 : i32
      %jit3A_637 = arith.constant 1 : i32
      %select_n3A_638 = arith.select %eq3A_636, %jit3A_637, %jit3A_634 : i32
      %rem3A_639 = arith.remsi %squeeze3A_633, %select_n3A_638 : i32
      %ne3A_640 = arith.constant 0 : i32
      %ne3A_641 = arith.cmpi ne, %rem3A_639, %ne3A_640 : i32
      %lt3A_642 = arith.constant 0 : i32
      %lt3A_643 = arith.cmpi slt, %rem3A_639, %lt3A_642 : i32
      %lt3A_644 = arith.constant 0 : i32
      %lt3A_645 = arith.cmpi slt, %select_n3A_638, %lt3A_644 : i32
      %ne3A_646 = arith.xori %lt3A_643, %lt3A_645 : i1
      %and3A_647 = arith.andi %ne3A_646, %ne3A_641 : i1
      %add3A_648 = arith.addi %rem3A_639, %select_n3A_638 : i32
      %select_n3A_649 = arith.select %and3A_647, %add3A_648, %rem3A_639 : i32
      %broadcast_in_dim3A_650 = arith.constant 0 : i32
      %broadcast_in_dim3A_651 = vector.broadcast %broadcast_in_dim3A_650 : i32 to vector<16xi32>
      %add3A_652 = vector.broadcast %select_n3A_631 : i32 to vector<16xi32>
      %add3A_653 = arith.addi %broadcast_in_dim3A_651, %add3A_652 : vector<16xi32>
      %broadcast_in_dim3A_654 = arith.constant 0 : i32
      %broadcast_in_dim3A_655 = vector.broadcast %broadcast_in_dim3A_654 : i32 to vector<16xi32>
      %add3A_656 = vector.broadcast %select_n3A_649 : i32 to vector<16xi32>
      %add3A_657 = arith.addi %broadcast_in_dim3A_655, %add3A_656 : vector<16xi32>
      %broadcast_in_dim3A_658 = arith.constant 0.000000e+00 : f32
      %broadcast_in_dim3A_659 = vector.broadcast %broadcast_in_dim3A_658 : f32 to vector<16xf32>
      %add3A_660 = arith.constant 0 : i32
      %add3A_661 = vector.broadcast %add3A_660 : i32 to vector<16xi32>
      %add3A_662 = arith.addi %iota3A, %add3A_661 : vector<16xi32>
      %gather3A_663 = tpu.vector_load_idx %arg14[%add3A_662, %add3A_653] : memref<64x128xf32, #tpu.memory_space<vmem>>[vector<16xi32>, vector<16xi32>], vector<16xf32>,
      %gather3A_664 = tpu.vector_load_idx %arg18[%add3A_662, %add3A_657] : memref<64x128xf32, #tpu.memory_space<vmem>>[vector<16xi32>, vector<16xi32>], vector<16xf32>,
      %mul3A_665 = arith.mulf %gather3A_663, %gather3A_664 : vector<16xf32>
      %add3A_666 = arith.addf %broadcast_in_dim3A_659, %mul3A_665 : vector<16xf32>
      %add3A_667 = arith.constant 16 : i32
      %add3A_668 = vector.broadcast %add3A_667 : i32 to vector<16xi32>
      %add3A_669 = arith.addi %iota3A, %add3A_668 : vector<16xi32>
      %gather3A_670 = tpu.vector_load_idx %arg14[%add3A_669, %add3A_653] : memref<64x128xf32, #tpu.memory_space<vmem>>[vector<16xi32>, vector<16xi32>], vector<16xf32>,
      %gather3A_671 = tpu.vector_load_idx %arg18[%add3A_669, %add3A_657] : memref<64x128xf32, #tpu.memory_space<vmem>>[vector<16xi32>, vector<16xi32>], vector<16xf32>,
      %mul3A_672 = arith.mulf %gather3A_670, %gather3A_671 : vector<16xf32>
      %add3A_673 = arith.addf %add3A_666, %mul3A_672 : vector<16xf32>
      %add3A_674 = arith.constant 32 : i32
      %add3A_675 = vector.broadcast %add3A_674 : i32 to vector<16xi32>
      %add3A_676 = arith.addi %iota3A, %add3A_675 : vector<16xi32>
      %gather3A_677 = tpu.vector_load_idx %arg14[%add3A_676, %add3A_653] : memref<64x128xf32, #tpu.memory_space<vmem>>[vector<16xi32>, vector<16xi32>], vector<16xf32>,
      %gather3A_678 = tpu.vector_load_idx %arg18[%add3A_676, %add3A_657] : memref<64x128xf32, #tpu.memory_space<vmem>>[vector<16xi32>, vector<16xi32>], vector<16xf32>,
      %mul3A_679 = arith.mulf %gather3A_677, %gather3A_678 : vector<16xf32>
      %add3A_680 = arith.addf %add3A_673, %mul3A_679 : vector<16xf32>
      %add3A_681 = arith.constant 48 : i32
      %add3A_682 = vector.broadcast %add3A_681 : i32 to vector<16xi32>
      %add3A_683 = arith.addi %iota3A, %add3A_682 : vector<16xi32>
      %gather3A_684 = tpu.vector_load_idx %arg14[%add3A_683, %add3A_653] : memref<64x128xf32, #tpu.memory_space<vmem>>[vector<16xi32>, vector<16xi32>], vector<16xf32>,
      %gather3A_685 = tpu.vector_load_idx %arg18[%add3A_683, %add3A_657] : memref<64x128xf32, #tpu.memory_space<vmem>>[vector<16xi32>, vector<16xi32>], vector<16xf32>,
      %mul3A_686 = arith.mulf %gather3A_684, %gather3A_685 : vector<16xf32>
      %add3A_687 = arith.addf %add3A_680, %mul3A_686 : vector<16xf32>
      %reduce_sum3A_688 = arith.constant true
      %reduce_sum3A_689 = vector.broadcast %reduce_sum3A_688 : i1 to vector<16xi1>
      %reduce_sum3A_690 = tpu.scan <sum>, %add3A_687 masked %reduce_sum3A_689 : vector<16xf32>, vector<16xi1> -> vector<16xf32>
      %reduce_sum3A_691 = vector.extract %reduce_sum3A_690[15] : f32 from vector<16xf32>
      %gather3A_692 = tpu.vector_load_idx %arg22[%add3A_653] : memref<128xf32, #tpu.memory_space<vmem>>[vector<16xi32>], vector<16xf32>,
      %gather3A_693 = tpu.vector_load_idx %arg26[%add3A_657] : memref<128xf32, #tpu.memory_space<vmem>>[vector<16xi32>], vector<16xf32>,
      %slice3A_694 = vector.extract_strided_slice %gather3A_692 {offsets = [0], sizes = [1], strides = [1]} : vector<16xf32> to vector<1xf32>
      %squeeze3A_695 = vector.extract %slice3A_694[0] : f32 from vector<1xf32>
      %slice3A_696 = vector.extract_strided_slice %gather3A_693 {offsets = [0], sizes = [1], strides = [1]} : vector<16xf32> to vector<1xf32>
      %squeeze3A_697 = vector.extract %slice3A_696[0] : f32 from vector<1xf32>
      %add3A_698 = arith.addf %squeeze3A_695, %squeeze3A_697 : f32
      %lt3A_699 = arith.constant 31 : i32
      %lt3A_700 = arith.cmpi slt, %scan3A_306, %lt3A_699 : i32
      %convert_element_type3A_701 = arith.extui %lt3A_700 : i1 to i32
      %cond3A_702 = arith.constant 0 : i32
      %cond3A_703 = arith.cmpi ne, %convert_element_type3A_701, %cond3A_702 : i32
      scf.if %cond3A_703 {
        %slice3A_886 = vector.extract_strided_slice %get3A_322 {offsets = [2], sizes = [1], strides = [1]} : vector<16xi32> to vector<1xi32>
        %squeeze3A_887 = vector.extract %slice3A_886[0] : i32 from vector<1xi32>
        %slice3A_888 = vector.extract_strided_slice %get3A_328 {offsets = [2], sizes = [1], strides = [1]} : vector<16xi32> to vector<1xi32>
        %squeeze3A_889 = vector.extract %slice3A_888[0] : i32 from vector<1xi32>
        %jit3A_890 = arith.constant 128 : i32
        %div3A_891 = arith.divsi %squeeze3A_887, %jit3A_890 : i32
        %sign3A_892 = arith.constant 0 : i32
        %sign3A_893 = arith.cmpi sgt, %squeeze3A_887, %sign3A_892 : i32
        %sign3A_894 = arith.extui %sign3A_893 : i1 to i32
        %sign3A_895 = arith.constant 0 : i32
        %sign3A_896 = arith.cmpi slt, %squeeze3A_887, %sign3A_895 : i32
        %sign3A_897 = arith.extui %sign3A_896 : i1 to i32
        %sign3A_898 = arith.subi %sign3A_894, %sign3A_897 : i32
        %sign3A_899 = arith.constant 0 : i32
        %sign3A_900 = arith.cmpi sgt, %jit3A_890, %sign3A_899 : i32
        %sign3A_901 = arith.extui %sign3A_900 : i1 to i32
        %sign3A_902 = arith.constant 0 : i32
        %sign3A_903 = arith.cmpi slt, %jit3A_890, %sign3A_902 : i32
        %sign3A_904 = arith.extui %sign3A_903 : i1 to i32
        %sign3A_905 = arith.subi %sign3A_901, %sign3A_904 : i32
        %ne3A_906 = arith.cmpi ne, %sign3A_898, %sign3A_905 : i32
        %rem3A_907 = arith.remsi %squeeze3A_887, %jit3A_890 : i32
        %ne3A_908 = arith.constant 0 : i32
        %ne3A_909 = arith.cmpi ne, %rem3A_907, %ne3A_908 : i32
        %and3A_910 = arith.andi %ne3A_906, %ne3A_909 : i1
        %sub3A_911 = arith.constant 1 : i32
        %sub3A_912 = arith.subi %div3A_891, %sub3A_911 : i32
        %select_n3A_913 = arith.select %and3A_910, %sub3A_912, %div3A_891 : i32
        %mul3A_914 = arith.constant 128 : i32
        %mul3A_915 = arith.muli %select_n3A_913, %mul3A_914 : i32
        %multiple_of3A_916 = tpu.assume_multiple %mul3A_915, 128 : i32
        %jit3A_917 = arith.constant 128 : i32
        %div3A_918 = arith.divsi %squeeze3A_889, %jit3A_917 : i32
        %sign3A_919 = arith.constant 0 : i32
        %sign3A_920 = arith.cmpi sgt, %squeeze3A_889, %sign3A_919 : i32
        %sign3A_921 = arith.extui %sign3A_920 : i1 to i32
        %sign3A_922 = arith.constant 0 : i32
        %sign3A_923 = arith.cmpi slt, %squeeze3A_889, %sign3A_922 : i32
        %sign3A_924 = arith.extui %sign3A_923 : i1 to i32
        %sign3A_925 = arith.subi %sign3A_921, %sign3A_924 : i32
        %sign3A_926 = arith.constant 0 : i32
        %sign3A_927 = arith.cmpi sgt, %jit3A_917, %sign3A_926 : i32
        %sign3A_928 = arith.extui %sign3A_927 : i1 to i32
        %sign3A_929 = arith.constant 0 : i32
        %sign3A_930 = arith.cmpi slt, %jit3A_917, %sign3A_929 : i32
        %sign3A_931 = arith.extui %sign3A_930 : i1 to i32
        %sign3A_932 = arith.subi %sign3A_928, %sign3A_931 : i32
        %ne3A_933 = arith.cmpi ne, %sign3A_925, %sign3A_932 : i32
        %rem3A_934 = arith.remsi %squeeze3A_889, %jit3A_917 : i32
        %ne3A_935 = arith.constant 0 : i32
        %ne3A_936 = arith.cmpi ne, %rem3A_934, %ne3A_935 : i32
        %and3A_937 = arith.andi %ne3A_933, %ne3A_936 : i1
        %sub3A_938 = arith.constant 1 : i32
        %sub3A_939 = arith.subi %div3A_918, %sub3A_938 : i32
        %select_n3A_940 = arith.select %and3A_937, %sub3A_939, %div3A_918 : i32
        %mul3A_941 = arith.constant 128 : i32
        %mul3A_942 = arith.muli %select_n3A_940, %mul3A_941 : i32
        %multiple_of3A_943 = tpu.assume_multiple %mul3A_942, 128 : i32
        %dma_start3A_944 = arith.constant 0 : i32
        %dma_start3A_945 = tpu.memref_slice %arg4[%dma_start3A_944, %multiple_of3A_916] : memref<64x1000000xf32, #tpu.memory_space<hbm>> -> memref<64x128xf32, #tpu.memory_space<hbm>>
        %dma_start3A_946 = arith.constant 0 : i32
        %dma_start3A_947 = tpu.memref_slice %arg4[%dma_start3A_946, %multiple_of3A_916] : memref<64x1000000xf32, #tpu.memory_space<hbm>> -> memref<64x128xf32, #tpu.memory_space<hbm>>
        tpu.enqueue_dma source(%dma_start3A_947 : memref<64x128xf32, #tpu.memory_space<hbm>>) target(%arg14 : memref<64x128xf32, #tpu.memory_space<vmem>>) target_semaphore(%arg32 : memref<!tpu.dma_semaphore, #tpu.memory_space<semaphore_mem>>)
        %dma_start3A_948 = arith.constant 0 : i32
        %dma_start3A_949 = tpu.memref_slice %arg5[%dma_start3A_948, %multiple_of3A_943] : memref<64x1000000xf32, #tpu.memory_space<hbm>> -> memref<64x128xf32, #tpu.memory_space<hbm>>
        %dma_start3A_950 = arith.constant 0 : i32
        %dma_start3A_951 = tpu.memref_slice %arg5[%dma_start3A_950, %multiple_of3A_943] : memref<64x1000000xf32, #tpu.memory_space<hbm>> -> memref<64x128xf32, #tpu.memory_space<hbm>>
        tpu.enqueue_dma source(%dma_start3A_951 : memref<64x128xf32, #tpu.memory_space<hbm>>) target(%arg18 : memref<64x128xf32, #tpu.memory_space<vmem>>) target_semaphore(%arg32 : memref<!tpu.dma_semaphore, #tpu.memory_space<semaphore_mem>>)
        %dma_start3A_952 = arith.constant 0 : i32
        %dma_start3A_953 = tpu.memref_slice %arg6[%dma_start3A_952, %multiple_of3A_916] : memref<1x1000000xf32, #tpu.memory_space<hbm>> -> memref<1x128xf32, #tpu.memory_space<hbm>>
        %dma_start3A_954 = tpu.memref_squeeze %dma_start3A_953 : memref<1x128xf32, #tpu.memory_space<hbm>> -> memref<128xf32, #tpu.memory_space<hbm>>
        %dma_start3A_955 = tpu.memref_slice %arg6[%dma_start3A_952, %multiple_of3A_916] : memref<1x1000000xf32, #tpu.memory_space<hbm>> -> memref<1x128xf32, #tpu.memory_space<hbm>>
        %dma_start3A_956 = tpu.memref_squeeze %dma_start3A_955 : memref<1x128xf32, #tpu.memory_space<hbm>> -> memref<128xf32, #tpu.memory_space<hbm>>
        tpu.enqueue_dma source(%dma_start3A_956 : memref<128xf32, #tpu.memory_space<hbm>>) target(%arg22 : memref<128xf32, #tpu.memory_space<vmem>>) target_semaphore(%arg32 : memref<!tpu.dma_semaphore, #tpu.memory_space<semaphore_mem>>)
        %dma_start3A_957 = arith.constant 0 : i32
        %dma_start3A_958 = tpu.memref_slice %arg7[%dma_start3A_957, %multiple_of3A_943] : memref<1x1000000xf32, #tpu.memory_space<hbm>> -> memref<1x128xf32, #tpu.memory_space<hbm>>
        %dma_start3A_959 = tpu.memref_squeeze %dma_start3A_958 : memref<1x128xf32, #tpu.memory_space<hbm>> -> memref<128xf32, #tpu.memory_space<hbm>>
        %dma_start3A_960 = tpu.memref_slice %arg7[%dma_start3A_957, %multiple_of3A_943] : memref<1x1000000xf32, #tpu.memory_space<hbm>> -> memref<1x128xf32, #tpu.memory_space<hbm>>
        %dma_start3A_961 = tpu.memref_squeeze %dma_start3A_960 : memref<1x128xf32, #tpu.memory_space<hbm>> -> memref<128xf32, #tpu.memory_space<hbm>>
        tpu.enqueue_dma source(%dma_start3A_961 : memref<128xf32, #tpu.memory_space<hbm>>) target(%arg26 : memref<128xf32, #tpu.memory_space<vmem>>) target_semaphore(%arg32 : memref<!tpu.dma_semaphore, #tpu.memory_space<semaphore_mem>>)
      } else {
      }
      %add3A_704 = arith.constant 2 : i32
      %add3A_705 = arith.addi %mul3A_344, %add3A_704 : i32
      %eq3A_706 = vector.broadcast %add3A_705 : i32 to vector<16xi32>
      %eq3A_707 = arith.cmpi eq, %iota3A, %eq3A_706 : vector<16xi32>
      %broadcast_in_dim3A_708 = vector.broadcast %reduce_sum3A_691 : f32 to vector<16xf32>
      %select_n3A_709 = arith.select %eq3A_707, %broadcast_in_dim3A_708, %select_n3A_585 : vector<16xi1>, vector<16xf32>
      %broadcast_in_dim3A_710 = vector.broadcast %add3A_698 : f32 to vector<16xf32>
      %select_n3A_711 = arith.select %eq3A_707, %broadcast_in_dim3A_710, %select_n3A_587 : vector<16xi1>, vector<16xf32>
      %dma_wait3A_712 = arith.constant 0 : i32
      %dma_wait3A_713 = arith.constant 0 : i32
      %dma_wait3A_714 = tpu.memref_slice %arg4[%dma_wait3A_712, %dma_wait3A_713] : memref<64x1000000xf32, #tpu.memory_space<hbm>> -> memref<64x128xf32, #tpu.memory_space<hbm>>
      %dma_wait3A_715 = arith.constant 0 : i32
      %dma_wait3A_716 = arith.constant 0 : i32
      %dma_wait3A_717 = tpu.memref_slice %arg4[%dma_wait3A_715, %dma_wait3A_716] : memref<64x1000000xf32, #tpu.memory_space<hbm>> -> memref<64x128xf32, #tpu.memory_space<hbm>>
      tpu.wait_dma2 semaphore(%arg33 : memref<!tpu.dma_semaphore, #tpu.memory_space<semaphore_mem>>) src(%dma_wait3A_717 : memref<64x128xf32, #tpu.memory_space<hbm>>) dst(%arg15 : memref<64x128xf32, #tpu.memory_space<vmem>>)
      %dma_wait3A_718 = arith.constant 0 : i32
      %dma_wait3A_719 = arith.constant 0 : i32
      %dma_wait3A_720 = tpu.memref_slice %arg5[%dma_wait3A_718, %dma_wait3A_719] : memref<64x1000000xf32, #tpu.memory_space<hbm>> -> memref<64x128xf32, #tpu.memory_space<hbm>>
      %dma_wait3A_721 = arith.constant 0 : i32
      %dma_wait3A_722 = arith.constant 0 : i32
      %dma_wait3A_723 = tpu.memref_slice %arg5[%dma_wait3A_721, %dma_wait3A_722] : memref<64x1000000xf32, #tpu.memory_space<hbm>> -> memref<64x128xf32, #tpu.memory_space<hbm>>
      tpu.wait_dma2 semaphore(%arg33 : memref<!tpu.dma_semaphore, #tpu.memory_space<semaphore_mem>>) src(%dma_wait3A_723 : memref<64x128xf32, #tpu.memory_space<hbm>>) dst(%arg19 : memref<64x128xf32, #tpu.memory_space<vmem>>)
      %dma_wait3A_724 = arith.constant 0 : i32
      %dma_wait3A_725 = arith.constant 0 : i32
      %dma_wait3A_726 = tpu.memref_slice %arg6[%dma_wait3A_724, %dma_wait3A_725] : memref<1x1000000xf32, #tpu.memory_space<hbm>> -> memref<1x128xf32, #tpu.memory_space<hbm>>
      %dma_wait3A_727 = tpu.memref_squeeze %dma_wait3A_726 : memref<1x128xf32, #tpu.memory_space<hbm>> -> memref<128xf32, #tpu.memory_space<hbm>>
      %dma_wait3A_728 = arith.constant 0 : i32
      %dma_wait3A_729 = tpu.memref_slice %arg6[%dma_wait3A_724, %dma_wait3A_728] : memref<1x1000000xf32, #tpu.memory_space<hbm>> -> memref<1x128xf32, #tpu.memory_space<hbm>>
      %dma_wait3A_730 = tpu.memref_squeeze %dma_wait3A_729 : memref<1x128xf32, #tpu.memory_space<hbm>> -> memref<128xf32, #tpu.memory_space<hbm>>
      tpu.wait_dma2 semaphore(%arg33 : memref<!tpu.dma_semaphore, #tpu.memory_space<semaphore_mem>>) src(%dma_wait3A_730 : memref<128xf32, #tpu.memory_space<hbm>>) dst(%arg23 : memref<128xf32, #tpu.memory_space<vmem>>)
      %dma_wait3A_731 = arith.constant 0 : i32
      %dma_wait3A_732 = arith.constant 0 : i32
      %dma_wait3A_733 = tpu.memref_slice %arg7[%dma_wait3A_731, %dma_wait3A_732] : memref<1x1000000xf32, #tpu.memory_space<hbm>> -> memref<1x128xf32, #tpu.memory_space<hbm>>
      %dma_wait3A_734 = tpu.memref_squeeze %dma_wait3A_733 : memref<1x128xf32, #tpu.memory_space<hbm>> -> memref<128xf32, #tpu.memory_space<hbm>>
      %dma_wait3A_735 = arith.constant 0 : i32
      %dma_wait3A_736 = tpu.memref_slice %arg7[%dma_wait3A_731, %dma_wait3A_735] : memref<1x1000000xf32, #tpu.memory_space<hbm>> -> memref<1x128xf32, #tpu.memory_space<hbm>>
      %dma_wait3A_737 = tpu.memref_squeeze %dma_wait3A_736 : memref<1x128xf32, #tpu.memory_space<hbm>> -> memref<128xf32, #tpu.memory_space<hbm>>
      tpu.wait_dma2 semaphore(%arg33 : memref<!tpu.dma_semaphore, #tpu.memory_space<semaphore_mem>>) src(%dma_wait3A_737 : memref<128xf32, #tpu.memory_space<hbm>>) dst(%arg27 : memref<128xf32, #tpu.memory_space<vmem>>)
      %slice3A_738 = vector.extract_strided_slice %get3A_312 {offsets = [3], sizes = [1], strides = [1]} : vector<16xi32> to vector<1xi32>
      %squeeze3A_739 = vector.extract %slice3A_738[0] : i32 from vector<1xi32>
      %jit3A_740 = arith.constant 128 : i32
      %eq3A_741 = arith.constant 0 : i32
      %eq3A_742 = arith.cmpi eq, %jit3A_740, %eq3A_741 : i32
      %jit3A_743 = arith.constant 1 : i32
      %select_n3A_744 = arith.select %eq3A_742, %jit3A_743, %jit3A_740 : i32
      %rem3A_745 = arith.remsi %squeeze3A_739, %select_n3A_744 : i32
      %ne3A_746 = arith.constant 0 : i32
      %ne3A_747 = arith.cmpi ne, %rem3A_745, %ne3A_746 : i32
      %lt3A_748 = arith.constant 0 : i32
      %lt3A_749 = arith.cmpi slt, %rem3A_745, %lt3A_748 : i32
      %lt3A_750 = arith.constant 0 : i32
      %lt3A_751 = arith.cmpi slt, %select_n3A_744, %lt3A_750 : i32
      %ne3A_752 = arith.xori %lt3A_749, %lt3A_751 : i1
      %and3A_753 = arith.andi %ne3A_752, %ne3A_747 : i1
      %add3A_754 = arith.addi %rem3A_745, %select_n3A_744 : i32
      %select_n3A_755 = arith.select %and3A_753, %add3A_754, %rem3A_745 : i32
      %slice3A_756 = vector.extract_strided_slice %get3A_316 {offsets = [3], sizes = [1], strides = [1]} : vector<16xi32> to vector<1xi32>
      %squeeze3A_757 = vector.extract %slice3A_756[0] : i32 from vector<1xi32>
      %jit3A_758 = arith.constant 128 : i32
      %eq3A_759 = arith.constant 0 : i32
      %eq3A_760 = arith.cmpi eq, %jit3A_758, %eq3A_759 : i32
      %jit3A_761 = arith.constant 1 : i32
      %select_n3A_762 = arith.select %eq3A_760, %jit3A_761, %jit3A_758 : i32
      %rem3A_763 = arith.remsi %squeeze3A_757, %select_n3A_762 : i32
      %ne3A_764 = arith.constant 0 : i32
      %ne3A_765 = arith.cmpi ne, %rem3A_763, %ne3A_764 : i32
      %lt3A_766 = arith.constant 0 : i32
      %lt3A_767 = arith.cmpi slt, %rem3A_763, %lt3A_766 : i32
      %lt3A_768 = arith.constant 0 : i32
      %lt3A_769 = arith.cmpi slt, %select_n3A_762, %lt3A_768 : i32
      %ne3A_770 = arith.xori %lt3A_767, %lt3A_769 : i1
      %and3A_771 = arith.andi %ne3A_770, %ne3A_765 : i1
      %add3A_772 = arith.addi %rem3A_763, %select_n3A_762 : i32
      %select_n3A_773 = arith.select %and3A_771, %add3A_772, %rem3A_763 : i32
      %broadcast_in_dim3A_774 = arith.constant 0 : i32
      %broadcast_in_dim3A_775 = vector.broadcast %broadcast_in_dim3A_774 : i32 to vector<16xi32>
      %add3A_776 = vector.broadcast %select_n3A_755 : i32 to vector<16xi32>
      %add3A_777 = arith.addi %broadcast_in_dim3A_775, %add3A_776 : vector<16xi32>
      %broadcast_in_dim3A_778 = arith.constant 0 : i32
      %broadcast_in_dim3A_779 = vector.broadcast %broadcast_in_dim3A_778 : i32 to vector<16xi32>
      %add3A_780 = vector.broadcast %select_n3A_773 : i32 to vector<16xi32>
      %add3A_781 = arith.addi %broadcast_in_dim3A_779, %add3A_780 : vector<16xi32>
      %broadcast_in_dim3A_782 = arith.constant 0.000000e+00 : f32
      %broadcast_in_dim3A_783 = vector.broadcast %broadcast_in_dim3A_782 : f32 to vector<16xf32>
      %add3A_784 = arith.constant 0 : i32
      %add3A_785 = vector.broadcast %add3A_784 : i32 to vector<16xi32>
      %add3A_786 = arith.addi %iota3A, %add3A_785 : vector<16xi32>
      %gather3A_787 = tpu.vector_load_idx %arg15[%add3A_786, %add3A_777] : memref<64x128xf32, #tpu.memory_space<vmem>>[vector<16xi32>, vector<16xi32>], vector<16xf32>,
      %gather3A_788 = tpu.vector_load_idx %arg19[%add3A_786, %add3A_781] : memref<64x128xf32, #tpu.memory_space<vmem>>[vector<16xi32>, vector<16xi32>], vector<16xf32>,
      %mul3A_789 = arith.mulf %gather3A_787, %gather3A_788 : vector<16xf32>
      %add3A_790 = arith.addf %broadcast_in_dim3A_783, %mul3A_789 : vector<16xf32>
      %add3A_791 = arith.constant 16 : i32
      %add3A_792 = vector.broadcast %add3A_791 : i32 to vector<16xi32>
      %add3A_793 = arith.addi %iota3A, %add3A_792 : vector<16xi32>
      %gather3A_794 = tpu.vector_load_idx %arg15[%add3A_793, %add3A_777] : memref<64x128xf32, #tpu.memory_space<vmem>>[vector<16xi32>, vector<16xi32>], vector<16xf32>,
      %gather3A_795 = tpu.vector_load_idx %arg19[%add3A_793, %add3A_781] : memref<64x128xf32, #tpu.memory_space<vmem>>[vector<16xi32>, vector<16xi32>], vector<16xf32>,
      %mul3A_796 = arith.mulf %gather3A_794, %gather3A_795 : vector<16xf32>
      %add3A_797 = arith.addf %add3A_790, %mul3A_796 : vector<16xf32>
      %add3A_798 = arith.constant 32 : i32
      %add3A_799 = vector.broadcast %add3A_798 : i32 to vector<16xi32>
      %add3A_800 = arith.addi %iota3A, %add3A_799 : vector<16xi32>
      %gather3A_801 = tpu.vector_load_idx %arg15[%add3A_800, %add3A_777] : memref<64x128xf32, #tpu.memory_space<vmem>>[vector<16xi32>, vector<16xi32>], vector<16xf32>,
      %gather3A_802 = tpu.vector_load_idx %arg19[%add3A_800, %add3A_781] : memref<64x128xf32, #tpu.memory_space<vmem>>[vector<16xi32>, vector<16xi32>], vector<16xf32>,
      %mul3A_803 = arith.mulf %gather3A_801, %gather3A_802 : vector<16xf32>
      %add3A_804 = arith.addf %add3A_797, %mul3A_803 : vector<16xf32>
      %add3A_805 = arith.constant 48 : i32
      %add3A_806 = vector.broadcast %add3A_805 : i32 to vector<16xi32>
      %add3A_807 = arith.addi %iota3A, %add3A_806 : vector<16xi32>
      %gather3A_808 = tpu.vector_load_idx %arg15[%add3A_807, %add3A_777] : memref<64x128xf32, #tpu.memory_space<vmem>>[vector<16xi32>, vector<16xi32>], vector<16xf32>,
      %gather3A_809 = tpu.vector_load_idx %arg19[%add3A_807, %add3A_781] : memref<64x128xf32, #tpu.memory_space<vmem>>[vector<16xi32>, vector<16xi32>], vector<16xf32>,
      %mul3A_810 = arith.mulf %gather3A_808, %gather3A_809 : vector<16xf32>
      %add3A_811 = arith.addf %add3A_804, %mul3A_810 : vector<16xf32>
      %reduce_sum3A_812 = arith.constant true
      %reduce_sum3A_813 = vector.broadcast %reduce_sum3A_812 : i1 to vector<16xi1>
      %reduce_sum3A_814 = tpu.scan <sum>, %add3A_811 masked %reduce_sum3A_813 : vector<16xf32>, vector<16xi1> -> vector<16xf32>
      %reduce_sum3A_815 = vector.extract %reduce_sum3A_814[15] : f32 from vector<16xf32>
      %gather3A_816 = tpu.vector_load_idx %arg23[%add3A_777] : memref<128xf32, #tpu.memory_space<vmem>>[vector<16xi32>], vector<16xf32>,
      %gather3A_817 = tpu.vector_load_idx %arg27[%add3A_781] : memref<128xf32, #tpu.memory_space<vmem>>[vector<16xi32>], vector<16xf32>,
      %slice3A_818 = vector.extract_strided_slice %gather3A_816 {offsets = [0], sizes = [1], strides = [1]} : vector<16xf32> to vector<1xf32>
      %squeeze3A_819 = vector.extract %slice3A_818[0] : f32 from vector<1xf32>
      %slice3A_820 = vector.extract_strided_slice %gather3A_817 {offsets = [0], sizes = [1], strides = [1]} : vector<16xf32> to vector<1xf32>
      %squeeze3A_821 = vector.extract %slice3A_820[0] : f32 from vector<1xf32>
      %add3A_822 = arith.addf %squeeze3A_819, %squeeze3A_821 : f32
      %lt3A_823 = arith.constant 31 : i32
      %lt3A_824 = arith.cmpi slt, %scan3A_306, %lt3A_823 : i32
      %convert_element_type3A_825 = arith.extui %lt3A_824 : i1 to i32
      %cond3A_826 = arith.constant 0 : i32
      %cond3A_827 = arith.cmpi ne, %convert_element_type3A_825, %cond3A_826 : i32
      scf.if %cond3A_827 {
        %slice3A_886 = vector.extract_strided_slice %get3A_322 {offsets = [3], sizes = [1], strides = [1]} : vector<16xi32> to vector<1xi32>
        %squeeze3A_887 = vector.extract %slice3A_886[0] : i32 from vector<1xi32>
        %slice3A_888 = vector.extract_strided_slice %get3A_328 {offsets = [3], sizes = [1], strides = [1]} : vector<16xi32> to vector<1xi32>
        %squeeze3A_889 = vector.extract %slice3A_888[0] : i32 from vector<1xi32>
        %jit3A_890 = arith.constant 128 : i32
        %div3A_891 = arith.divsi %squeeze3A_887, %jit3A_890 : i32
        %sign3A_892 = arith.constant 0 : i32
        %sign3A_893 = arith.cmpi sgt, %squeeze3A_887, %sign3A_892 : i32
        %sign3A_894 = arith.extui %sign3A_893 : i1 to i32
        %sign3A_895 = arith.constant 0 : i32
        %sign3A_896 = arith.cmpi slt, %squeeze3A_887, %sign3A_895 : i32
        %sign3A_897 = arith.extui %sign3A_896 : i1 to i32
        %sign3A_898 = arith.subi %sign3A_894, %sign3A_897 : i32
        %sign3A_899 = arith.constant 0 : i32
        %sign3A_900 = arith.cmpi sgt, %jit3A_890, %sign3A_899 : i32
        %sign3A_901 = arith.extui %sign3A_900 : i1 to i32
        %sign3A_902 = arith.constant 0 : i32
        %sign3A_903 = arith.cmpi slt, %jit3A_890, %sign3A_902 : i32
        %sign3A_904 = arith.extui %sign3A_903 : i1 to i32
        %sign3A_905 = arith.subi %sign3A_901, %sign3A_904 : i32
        %ne3A_906 = arith.cmpi ne, %sign3A_898, %sign3A_905 : i32
        %rem3A_907 = arith.remsi %squeeze3A_887, %jit3A_890 : i32
        %ne3A_908 = arith.constant 0 : i32
        %ne3A_909 = arith.cmpi ne, %rem3A_907, %ne3A_908 : i32
        %and3A_910 = arith.andi %ne3A_906, %ne3A_909 : i1
        %sub3A_911 = arith.constant 1 : i32
        %sub3A_912 = arith.subi %div3A_891, %sub3A_911 : i32
        %select_n3A_913 = arith.select %and3A_910, %sub3A_912, %div3A_891 : i32
        %mul3A_914 = arith.constant 128 : i32
        %mul3A_915 = arith.muli %select_n3A_913, %mul3A_914 : i32
        %multiple_of3A_916 = tpu.assume_multiple %mul3A_915, 128 : i32
        %jit3A_917 = arith.constant 128 : i32
        %div3A_918 = arith.divsi %squeeze3A_889, %jit3A_917 : i32
        %sign3A_919 = arith.constant 0 : i32
        %sign3A_920 = arith.cmpi sgt, %squeeze3A_889, %sign3A_919 : i32
        %sign3A_921 = arith.extui %sign3A_920 : i1 to i32
        %sign3A_922 = arith.constant 0 : i32
        %sign3A_923 = arith.cmpi slt, %squeeze3A_889, %sign3A_922 : i32
        %sign3A_924 = arith.extui %sign3A_923 : i1 to i32
        %sign3A_925 = arith.subi %sign3A_921, %sign3A_924 : i32
        %sign3A_926 = arith.constant 0 : i32
        %sign3A_927 = arith.cmpi sgt, %jit3A_917, %sign3A_926 : i32
        %sign3A_928 = arith.extui %sign3A_927 : i1 to i32
        %sign3A_929 = arith.constant 0 : i32
        %sign3A_930 = arith.cmpi slt, %jit3A_917, %sign3A_929 : i32
        %sign3A_931 = arith.extui %sign3A_930 : i1 to i32
        %sign3A_932 = arith.subi %sign3A_928, %sign3A_931 : i32
        %ne3A_933 = arith.cmpi ne, %sign3A_925, %sign3A_932 : i32
        %rem3A_934 = arith.remsi %squeeze3A_889, %jit3A_917 : i32
        %ne3A_935 = arith.constant 0 : i32
        %ne3A_936 = arith.cmpi ne, %rem3A_934, %ne3A_935 : i32
        %and3A_937 = arith.andi %ne3A_933, %ne3A_936 : i1
        %sub3A_938 = arith.constant 1 : i32
        %sub3A_939 = arith.subi %div3A_918, %sub3A_938 : i32
        %select_n3A_940 = arith.select %and3A_937, %sub3A_939, %div3A_918 : i32
        %mul3A_941 = arith.constant 128 : i32
        %mul3A_942 = arith.muli %select_n3A_940, %mul3A_941 : i32
        %multiple_of3A_943 = tpu.assume_multiple %mul3A_942, 128 : i32
        %dma_start3A_944 = arith.constant 0 : i32
        %dma_start3A_945 = tpu.memref_slice %arg4[%dma_start3A_944, %multiple_of3A_916] : memref<64x1000000xf32, #tpu.memory_space<hbm>> -> memref<64x128xf32, #tpu.memory_space<hbm>>
        %dma_start3A_946 = arith.constant 0 : i32
        %dma_start3A_947 = tpu.memref_slice %arg4[%dma_start3A_946, %multiple_of3A_916] : memref<64x1000000xf32, #tpu.memory_space<hbm>> -> memref<64x128xf32, #tpu.memory_space<hbm>>
        tpu.enqueue_dma source(%dma_start3A_947 : memref<64x128xf32, #tpu.memory_space<hbm>>) target(%arg15 : memref<64x128xf32, #tpu.memory_space<vmem>>) target_semaphore(%arg33 : memref<!tpu.dma_semaphore, #tpu.memory_space<semaphore_mem>>)
        %dma_start3A_948 = arith.constant 0 : i32
        %dma_start3A_949 = tpu.memref_slice %arg5[%dma_start3A_948, %multiple_of3A_943] : memref<64x1000000xf32, #tpu.memory_space<hbm>> -> memref<64x128xf32, #tpu.memory_space<hbm>>
        %dma_start3A_950 = arith.constant 0 : i32
        %dma_start3A_951 = tpu.memref_slice %arg5[%dma_start3A_950, %multiple_of3A_943] : memref<64x1000000xf32, #tpu.memory_space<hbm>> -> memref<64x128xf32, #tpu.memory_space<hbm>>
        tpu.enqueue_dma source(%dma_start3A_951 : memref<64x128xf32, #tpu.memory_space<hbm>>) target(%arg19 : memref<64x128xf32, #tpu.memory_space<vmem>>) target_semaphore(%arg33 : memref<!tpu.dma_semaphore, #tpu.memory_space<semaphore_mem>>)
        %dma_start3A_952 = arith.constant 0 : i32
        %dma_start3A_953 = tpu.memref_slice %arg6[%dma_start3A_952, %multiple_of3A_916] : memref<1x1000000xf32, #tpu.memory_space<hbm>> -> memref<1x128xf32, #tpu.memory_space<hbm>>
        %dma_start3A_954 = tpu.memref_squeeze %dma_start3A_953 : memref<1x128xf32, #tpu.memory_space<hbm>> -> memref<128xf32, #tpu.memory_space<hbm>>
        %dma_start3A_955 = tpu.memref_slice %arg6[%dma_start3A_952, %multiple_of3A_916] : memref<1x1000000xf32, #tpu.memory_space<hbm>> -> memref<1x128xf32, #tpu.memory_space<hbm>>
        %dma_start3A_956 = tpu.memref_squeeze %dma_start3A_955 : memref<1x128xf32, #tpu.memory_space<hbm>> -> memref<128xf32, #tpu.memory_space<hbm>>
        tpu.enqueue_dma source(%dma_start3A_956 : memref<128xf32, #tpu.memory_space<hbm>>) target(%arg23 : memref<128xf32, #tpu.memory_space<vmem>>) target_semaphore(%arg33 : memref<!tpu.dma_semaphore, #tpu.memory_space<semaphore_mem>>)
        %dma_start3A_957 = arith.constant 0 : i32
        %dma_start3A_958 = tpu.memref_slice %arg7[%dma_start3A_957, %multiple_of3A_943] : memref<1x1000000xf32, #tpu.memory_space<hbm>> -> memref<1x128xf32, #tpu.memory_space<hbm>>
        %dma_start3A_959 = tpu.memref_squeeze %dma_start3A_958 : memref<1x128xf32, #tpu.memory_space<hbm>> -> memref<128xf32, #tpu.memory_space<hbm>>
        %dma_start3A_960 = tpu.memref_slice %arg7[%dma_start3A_957, %multiple_of3A_943] : memref<1x1000000xf32, #tpu.memory_space<hbm>> -> memref<1x128xf32, #tpu.memory_space<hbm>>
        %dma_start3A_961 = tpu.memref_squeeze %dma_start3A_960 : memref<1x128xf32, #tpu.memory_space<hbm>> -> memref<128xf32, #tpu.memory_space<hbm>>
        tpu.enqueue_dma source(%dma_start3A_961 : memref<128xf32, #tpu.memory_space<hbm>>) target(%arg27 : memref<128xf32, #tpu.memory_space<vmem>>) target_semaphore(%arg33 : memref<!tpu.dma_semaphore, #tpu.memory_space<semaphore_mem>>)
      } else {
      }
      %add3A_828 = arith.constant 3 : i32
      %add3A_829 = arith.addi %mul3A_344, %add3A_828 : i32
      %eq3A_830 = vector.broadcast %add3A_829 : i32 to vector<16xi32>
      %eq3A_831 = arith.cmpi eq, %iota3A, %eq3A_830 : vector<16xi32>
      %broadcast_in_dim3A_832 = vector.broadcast %reduce_sum3A_815 : f32 to vector<16xf32>
      %select_n3A_833 = arith.select %eq3A_831, %broadcast_in_dim3A_832, %select_n3A_709 : vector<16xi1>, vector<16xf32>
      %broadcast_in_dim3A_834 = vector.broadcast %add3A_822 : f32 to vector<16xf32>
      %select_n3A_835 = arith.select %eq3A_831, %broadcast_in_dim3A_834, %select_n3A_711 : vector<16xi1>, vector<16xf32>
      %jit3A_836 = arith.constant 4 : i32
      %eq3A_837 = arith.constant 0 : i32
      %eq3A_838 = arith.cmpi eq, %jit3A_836, %eq3A_837 : i32
      %jit3A_839 = arith.constant 1 : i32
      %select_n3A_840 = arith.select %eq3A_838, %jit3A_839, %jit3A_836 : i32
      %rem3A_841 = arith.remsi %scan3A_306, %select_n3A_840 : i32
      %ne3A_842 = arith.constant 0 : i32
      %ne3A_843 = arith.cmpi ne, %rem3A_841, %ne3A_842 : i32
      %lt3A_844 = arith.constant 0 : i32
      %lt3A_845 = arith.cmpi slt, %rem3A_841, %lt3A_844 : i32
      %lt3A_846 = arith.constant 0 : i32
      %lt3A_847 = arith.cmpi slt, %select_n3A_840, %lt3A_846 : i32
      %ne3A_848 = arith.xori %lt3A_845, %lt3A_847 : i1
      %and3A_849 = arith.andi %ne3A_848, %ne3A_843 : i1
      %add3A_850 = arith.addi %rem3A_841, %select_n3A_840 : i32
      %select_n3A_851 = arith.select %and3A_849, %add3A_850, %rem3A_841 : i32
      %eq3A_852 = arith.constant 3 : i32
      %eq3A_853 = arith.cmpi eq, %select_n3A_851, %eq3A_852 : i32
      %convert_element_type3A_854 = arith.extui %eq3A_853 : i1 to i32
      %cond3A_855 = arith.constant 0 : i32
      %cond3A_856 = arith.cmpi ne, %convert_element_type3A_854, %cond3A_855 : i32
      scf.if %cond3A_856 {
        %jit3A_886 = arith.constant 4 : i32
        %div3A_887 = arith.divsi %scan3A_306, %jit3A_886 : i32
        %sign3A_888 = arith.constant 0 : i32
        %sign3A_889 = arith.cmpi sgt, %scan3A_306, %sign3A_888 : i32
        %sign3A_890 = arith.extui %sign3A_889 : i1 to i32
        %sign3A_891 = arith.constant 0 : i32
        %sign3A_892 = arith.cmpi slt, %scan3A_306, %sign3A_891 : i32
        %sign3A_893 = arith.extui %sign3A_892 : i1 to i32
        %sign3A_894 = arith.subi %sign3A_890, %sign3A_893 : i32
        %sign3A_895 = arith.constant 0 : i32
        %sign3A_896 = arith.cmpi sgt, %jit3A_886, %sign3A_895 : i32
        %sign3A_897 = arith.extui %sign3A_896 : i1 to i32
        %sign3A_898 = arith.constant 0 : i32
        %sign3A_899 = arith.cmpi slt, %jit3A_886, %sign3A_898 : i32
        %sign3A_900 = arith.extui %sign3A_899 : i1 to i32
        %sign3A_901 = arith.subi %sign3A_897, %sign3A_900 : i32
        %ne3A_902 = arith.cmpi ne, %sign3A_894, %sign3A_901 : i32
        %rem3A_903 = arith.remsi %scan3A_306, %jit3A_886 : i32
        %ne3A_904 = arith.constant 0 : i32
        %ne3A_905 = arith.cmpi ne, %rem3A_903, %ne3A_904 : i32
        %and3A_906 = arith.andi %ne3A_902, %ne3A_905 : i1
        %sub3A_907 = arith.constant 1 : i32
        %sub3A_908 = arith.subi %div3A_887, %sub3A_907 : i32
        %select_n3A_909 = arith.select %and3A_906, %sub3A_908, %div3A_887 : i32
        %mul3A_910 = arith.constant 16 : i32
        %mul3A_911 = arith.muli %select_n3A_909, %mul3A_910 : i32
        %swap3A = arith.index_cast %mul3A_911 : i32 to index
        %swap3A_912 = tpu.vector_load %arg28[%swap3A] {strides = array<i32>} : memref<128xf32, #tpu.memory_space<vmem>>, vector<16xf32>,
        tpu.vector_store %arg28[%swap3A], %select_n3A_833 {strides = array<i32>} : memref<128xf32, #tpu.memory_space<vmem>>, vector<16xf32>,
        %jit3A_913 = arith.constant 4 : i32
        %div3A_914 = arith.divsi %scan3A_306, %jit3A_913 : i32
        %sign3A_915 = arith.constant 0 : i32
        %sign3A_916 = arith.cmpi sgt, %scan3A_306, %sign3A_915 : i32
        %sign3A_917 = arith.extui %sign3A_916 : i1 to i32
        %sign3A_918 = arith.constant 0 : i32
        %sign3A_919 = arith.cmpi slt, %scan3A_306, %sign3A_918 : i32
        %sign3A_920 = arith.extui %sign3A_919 : i1 to i32
        %sign3A_921 = arith.subi %sign3A_917, %sign3A_920 : i32
        %sign3A_922 = arith.constant 0 : i32
        %sign3A_923 = arith.cmpi sgt, %jit3A_913, %sign3A_922 : i32
        %sign3A_924 = arith.extui %sign3A_923 : i1 to i32
        %sign3A_925 = arith.constant 0 : i32
        %sign3A_926 = arith.cmpi slt, %jit3A_913, %sign3A_925 : i32
        %sign3A_927 = arith.extui %sign3A_926 : i1 to i32
        %sign3A_928 = arith.subi %sign3A_924, %sign3A_927 : i32
        %ne3A_929 = arith.cmpi ne, %sign3A_921, %sign3A_928 : i32
        %rem3A_930 = arith.remsi %scan3A_306, %jit3A_913 : i32
        %ne3A_931 = arith.constant 0 : i32
        %ne3A_932 = arith.cmpi ne, %rem3A_930, %ne3A_931 : i32
        %and3A_933 = arith.andi %ne3A_929, %ne3A_932 : i1
        %sub3A_934 = arith.constant 1 : i32
        %sub3A_935 = arith.subi %div3A_914, %sub3A_934 : i32
        %select_n3A_936 = arith.select %and3A_933, %sub3A_935, %div3A_914 : i32
        %mul3A_937 = arith.constant 16 : i32
        %mul3A_938 = arith.muli %select_n3A_936, %mul3A_937 : i32
        %swap3A_939 = arith.index_cast %mul3A_938 : i32 to index
        %swap3A_940 = tpu.vector_load %arg29[%swap3A_939] {strides = array<i32>} : memref<128xf32, #tpu.memory_space<vmem>>, vector<16xf32>,
        tpu.vector_store %arg29[%swap3A_939], %select_n3A_835 {strides = array<i32>} : memref<128xf32, #tpu.memory_space<vmem>>, vector<16xf32>,
      } else {
      }
      %broadcast_in_dim3A_857 = arith.constant 0 : i32
      %broadcast_in_dim3A_858 = vector.broadcast %broadcast_in_dim3A_857 : i32 to vector<16xi32>
      %jit3A_859 = arith.constant 4 : i32
      %eq3A_860 = arith.constant 0 : i32
      %eq3A_861 = arith.cmpi eq, %jit3A_859, %eq3A_860 : i32
      %jit3A_862 = arith.constant 1 : i32
      %select_n3A_863 = arith.select %eq3A_861, %jit3A_862, %jit3A_859 : i32
      %rem3A_864 = arith.remsi %scan3A_306, %select_n3A_863 : i32
      %ne3A_865 = arith.constant 0 : i32
      %ne3A_866 = arith.cmpi ne, %rem3A_864, %ne3A_865 : i32
      %lt3A_867 = arith.constant 0 : i32
      %lt3A_868 = arith.cmpi slt, %rem3A_864, %lt3A_867 : i32
      %lt3A_869 = arith.constant 0 : i32
      %lt3A_870 = arith.cmpi slt, %select_n3A_863, %lt3A_869 : i32
      %ne3A_871 = arith.xori %lt3A_868, %lt3A_870 : i1
      %and3A_872 = arith.andi %ne3A_871, %ne3A_866 : i1
      %add3A_873 = arith.addi %rem3A_864, %select_n3A_863 : i32
      %select_n3A_874 = arith.select %and3A_872, %add3A_873, %rem3A_864 : i32
      %add3A_875 = vector.broadcast %select_n3A_874 : i32 to vector<16xi32>
      %add3A_876 = arith.addi %broadcast_in_dim3A_858, %add3A_875 : vector<16xi32>
      %eq3A_877 = arith.constant 3 : i32
      %eq3A_878 = vector.broadcast %eq3A_877 : i32 to vector<16xi32>
      %eq3A_879 = arith.cmpi eq, %add3A_876, %eq3A_878 : vector<16xi32>
      %jit3A_880 = arith.constant 0.000000e+00 : f32
      %broadcast_in_dim3A_881 = vector.broadcast %jit3A_880 : f32 to vector<16xf32>
      %select_n3A_882 = arith.select %eq3A_879, %broadcast_in_dim3A_881, %select_n3A_833 : vector<16xi1>, vector<16xf32>
      %jit3A_883 = arith.constant 0.000000e+00 : f32
      %broadcast_in_dim3A_884 = vector.broadcast %jit3A_883 : f32 to vector<16xf32>
      %select_n3A_885 = arith.select %eq3A_879, %broadcast_in_dim3A_884, %select_n3A_835 : vector<16xi1>, vector<16xf32>
      scf.yield %select_n3A_882, %select_n3A_885 : vector<16xf32>, vector<16xf32>
    }
    %scan3A_305 = arith.constant 32 : i32
    "tpu.region"() ({
      %run_scoped3A = tpu.sem_alloc : memref<!tpu.dma_semaphore, #tpu.memory_space<semaphore_mem>>
      %dma_start3A_306 = tpu.memref_slice %arg8[%mul3A_2] : memref<4096xf32, #tpu.memory_space<hbm>> -> memref<128xf32, #tpu.memory_space<hbm>>
      %dma_start3A_307 = tpu.memref_slice %arg8[%mul3A_2] : memref<4096xf32, #tpu.memory_space<hbm>> -> memref<128xf32, #tpu.memory_space<hbm>>
      tpu.enqueue_dma source(%arg28 : memref<128xf32, #tpu.memory_space<vmem>>) target(%dma_start3A_307 : memref<128xf32, #tpu.memory_space<hbm>>) target_semaphore(%run_scoped3A : memref<!tpu.dma_semaphore, #tpu.memory_space<semaphore_mem>>)
      %dma_wait3A = tpu.memref_slice %arg8[%mul3A_2] : memref<4096xf32, #tpu.memory_space<hbm>> -> memref<128xf32, #tpu.memory_space<hbm>>
      %dma_wait3A_308 = tpu.memref_slice %arg8[%mul3A_2] : memref<4096xf32, #tpu.memory_space<hbm>> -> memref<128xf32, #tpu.memory_space<hbm>>
      tpu.wait_dma2 semaphore(%run_scoped3A : memref<!tpu.dma_semaphore, #tpu.memory_space<semaphore_mem>>) src(%arg28 : memref<128xf32, #tpu.memory_space<vmem>>) dst(%dma_wait3A_308 : memref<128xf32, #tpu.memory_space<hbm>>)
      tpu.yield
    }) : () -> ()
    "tpu.region"() ({
      %run_scoped3A = tpu.sem_alloc : memref<!tpu.dma_semaphore, #tpu.memory_space<semaphore_mem>>
      %dma_start3A_306 = tpu.memref_slice %arg9[%mul3A_2] : memref<4096xf32, #tpu.memory_space<hbm>> -> memref<128xf32, #tpu.memory_space<hbm>>
      %dma_start3A_307 = tpu.memref_slice %arg9[%mul3A_2] : memref<4096xf32, #tpu.memory_space<hbm>> -> memref<128xf32, #tpu.memory_space<hbm>>
      tpu.enqueue_dma source(%arg29 : memref<128xf32, #tpu.memory_space<vmem>>) target(%dma_start3A_307 : memref<128xf32, #tpu.memory_space<hbm>>) target_semaphore(%run_scoped3A : memref<!tpu.dma_semaphore, #tpu.memory_space<semaphore_mem>>)
      %dma_wait3A = tpu.memref_slice %arg9[%mul3A_2] : memref<4096xf32, #tpu.memory_space<hbm>> -> memref<128xf32, #tpu.memory_space<hbm>>
      %dma_wait3A_308 = tpu.memref_slice %arg9[%mul3A_2] : memref<4096xf32, #tpu.memory_space<hbm>> -> memref<128xf32, #tpu.memory_space<hbm>>
      tpu.wait_dma2 semaphore(%run_scoped3A : memref<!tpu.dma_semaphore, #tpu.memory_space<semaphore_mem>>) src(%arg29 : memref<128xf32, #tpu.memory_space<vmem>>) dst(%dma_wait3A_308 : memref<128xf32, #tpu.memory_space<hbm>>)
      tpu.yield
    }) : () -> ()
    return
  }
}

module attributes {stable_mosaic.version = 14 : i64} {
  func.func @_loss_body(%arg0: i32, %arg1: memref<1x4096xf32, #tpu.memory_space<vmem>>, %arg2: memref<1x4096xf32, #tpu.memory_space<vmem>>, %arg3: memref<512x1xf32, #tpu.memory_space<vmem>>, %arg4: memref<512x4096xf32, #tpu.memory_space<vmem>>) attributes {dimension_semantics = [#tpu.dimension_semantics<arbitrary>], iteration_bounds = array<i64: 8>, scalar_prefetch = 0 : i64, scratch_operands = 0 : i64, tpu.core_type = #tpu.core_type<tc>, window_params = [{pipeline_mode = #tpu.pipeline_mode<synchronous>, transform_indices = @transform_0, window_bounds = array<i64: 1, 4096>}, {pipeline_mode = #tpu.pipeline_mode<synchronous>, transform_indices = @transform_1, window_bounds = array<i64: 1, 4096>}, {transform_indices = @transform_2, window_bounds = array<i64: 512, 1>}, {transform_indices = @transform_3, window_bounds = array<i64: 512, 4096>}]} {
    %get3A = arith.constant 0 : index
    %get3A_0 = arith.constant 0 : index
    %get3A_1 = vector.load %arg2[%get3A, %get3A_0] : memref<1x4096xf32, #tpu.memory_space<vmem>>, vector<1x4096xf32>
    %get3A_2 = arith.constant 0 : index
    %get3A_3 = arith.constant 0 : index
    %get3A_4 = vector.load %arg1[%get3A_2, %get3A_3] : memref<1x4096xf32, #tpu.memory_space<vmem>>, vector<1x4096xf32>
    %log3A = math.log %get3A_1 : vector<1x4096xf32>
    %sub3A = arith.subf %get3A_4, %log3A : vector<1x4096xf32>
    %mul3A = arith.constant 0.00999999977 : f32
    %mul3A_5 = vector.broadcast %mul3A : f32 to vector<1x4096xf32>
    %mul3A_6 = arith.mulf %get3A_1, %mul3A_5 : vector<1x4096xf32>
    %log3A_7 = math.log %mul3A_6 : vector<1x4096xf32>
    %mul3A_8 = arith.constant 7.500000e-01 : f32
    %mul3A_9 = vector.broadcast %mul3A_8 : f32 to vector<1x4096xf32>
    %mul3A_10 = arith.mulf %mul3A_9, %log3A_7 : vector<1x4096xf32>
    %exp3A = math.exp %mul3A_10 : vector<1x4096xf32>
    %min3A = arith.constant 1.000000e+00 : f32
    %min3A_11 = vector.broadcast %min3A : f32 to vector<1x4096xf32>
    %min3A_12 = arith.minimumf %exp3A, %min3A_11 : vector<1x4096xf32>
    %get3A_13 = arith.constant 0 : index
    %get3A_14 = arith.constant 0 : index
    %get3A_15 = vector.load %arg3[%get3A_13, %get3A_14] : memref<512x1xf32, #tpu.memory_space<vmem>>, vector<512x1xf32>
    %add3A = vector.broadcast %sub3A : vector<1x4096xf32> to vector<512x4096xf32>
    %add3A_16 = vector.broadcast %get3A_15 : vector<512x1xf32> to vector<512x4096xf32>
    %add3A_17 = arith.addf %add3A, %add3A_16 : vector<512x4096xf32>
    %mul3A_18 = arith.mulf %add3A_17, %add3A_17 : vector<512x4096xf32>
    %mul3A_19 = vector.broadcast %min3A_12 : vector<1x4096xf32> to vector<512x4096xf32>
    %mul3A_20 = arith.mulf %mul3A_19, %mul3A_18 : vector<512x4096xf32>
    %swap3A = arith.constant 0 : index
    %swap3A_21 = arith.constant 0 : index
    %swap3A_22 = vector.load %arg4[%swap3A, %swap3A_21] : memref<512x4096xf32, #tpu.memory_space<vmem>>, vector<512x4096xf32>
    tpu.vector_store %arg4[%swap3A, %swap3A_21], %mul3A_20 {strides = array<i32>} : memref<512x4096xf32, #tpu.memory_space<vmem>>, vector<512x4096xf32>,
    return
  }
  func.func @transform_0(%arg0: i32) -> (i32, i32) {
    %c0_i32 = arith.constant 0 : i32
    %c0_i32_0 = arith.constant 0 : i32
    %c0_i32_1 = arith.constant 0 : i32
    return %c0_i32, %c0_i32_0 : i32, i32
  }
  func.func @transform_1(%arg0: i32) -> (i32, i32) {
    %c0_i32 = arith.constant 0 : i32
    %c0_i32_0 = arith.constant 0 : i32
    %c0_i32_1 = arith.constant 0 : i32
    return %c0_i32, %c0_i32_0 : i32, i32
  }
  func.func @transform_2(%arg0: i32) -> (i32, i32) {
    %c0_i32 = arith.constant 0 : i32
    %c0_i32_0 = arith.constant 0 : i32
    return %arg0, %c0_i32 : i32, i32
  }
  func.func @transform_3(%arg0: i32) -> (i32, i32) {
    %c0_i32 = arith.constant 0 : i32
    %c0_i32_0 = arith.constant 0 : i32
    return %arg0, %c0_i32 : i32, i32
  }
}

</mosaic_0001>

<sc_bundles>
// kernel: kernel.4.cloned.1.call-start
scs
__scs_entry_jumppad:
0x0: {  	(pc) =	sbr.rel $0x88, $3  }
0x1: {  	(tag) =	ssettag $0x0;
	lr =	simm.s32 $0x1  }
0x2: {  	[smem:$0x3F9A] =	sst lr;
	_ =	strace $0xD0000000  }
0x3: {  	_ = 	snop  }
0x4: {  	_ = 	snop  }
0x5: {  	_ = 	snop  }
0x6: {  	_ = 	snop  }
0x7: {  	_ = 	snop  }
__scs_overlays_trampoline_lowered:
0x8: {  	[smem:$0x3FA9] =	sst s0  }
0x9: {  	[smem:$0x3FAA] =	sst s1  }
0xa: {  	[smem:$0x3FAB] =	sst s2  }
0xb: {  	[smem:$0x3FAC] =	sst s3  }
0xc: {  	[smem:$0x3FAD] =	sst s4  }
0xd: {  	[smem:$0x3FAE] =	sst s5  }
0xe: {  	[smem:$0x3FAF] =	sst s6  }
0xf: {  	[smem:$0x3FB0] =	sst s7  }
0x10: {  	[smem:$0x3FB1] =	sst s8  }
0x11: {  	[smem:$0x3FB2] =	sst s9;
	s0 =	simm.s32 @!p0 $0x0  }
0x12: {  	s1 =	sld [smem:$0x3F98];
	s0 =	simm.s32 @p0 $0x1  }
0x13: {  	[smem:$0x3FB3] =	sst s0;
	s0 =	simm.s32 @!p1 $0x0  }
0x14: {  	s2 =	sld [smem:$0x3F97];
	s0 =	simm.s32 @p1 $0x1  }
0x15: {  	[smem:$0x3FB4] =	sst s0;
	s0 =	simm.s32 @!p2 $0x0  }
0x16: {  	s3 =	sld [smem:$0x3FDB];
	s0 =	simm.s32 @p2 $0x1  }
0x17: {  	s4 =	simm.s32 $0x1BF5;
	[smem:$0x3FB6] =	sst s0  }
0x18: {  	s0 =	sld [smem:$0x3F99];
	_ =	swait.ge [sflag:s4], $0x0  }
0x19: {  	s7 =	sld [smem:$0x3F9A]  }
0x1a: {  	s8 =	sadd.s32 $0xFFFFE003, lr  }
0x1b: {  	s9 =	sadd.s32 $0xFFFFFEF7, lr;
	s5 =	simm.s32 $0xFFFFFFFF;
	p2 =	slt.u32 s8, $0xFFFFF086  }
0x1c: {  	p1 =	slt.u32 s9, $0xF7A;
	s5 =	simm.s32 @!p2 $0x0  }
0x1d: {  	s5 =	simm.s32 @p1 $0x1;
	p0 =	seq.s32 s7, s2  }
0x1e: {  	s7 =	smul.u32 @!p0 $0xF7A, s2;
	p2 =	seq.s32 @!p0 s5, $0x0  }
0x1f: {  	s9 =	smul.u32 $0xF7A, s1;
	s8 =	simm.s32 @!p0 $0x1BF5;
	p2 =	por !p2, p0  }
0x20: {  	[sflag:s8] =	ssyncset.s32 @!p0 $0xFFFFF086;
	s6 =	sadd.s32 @!p0 s3, s7;
	s7 =	simm.s32 @!p0 $0x108  }
0x21: {  	s3 =	sadd.s32 s3, s9;
	s6 =	sadd.s32 @!p0 $0x88, s6;
	s7 =	simm.s32 @p2 $0x1082  }
0x22: {  	[simem:s7], [sflag:s8] =	dma.local @!p0 [hbm:s6], $0xF7A  }
0x23: {  	s9 =	sor.u32 $0xD0000000, s2;
	s6 =	simm.s32 $0x108;
	_ =	swait.ge @!p0 [sflag:s8], $0x0  }
0x24: {  	s3 =	sadd.s32 $0x88, s3;
	s6 =	simm.s32 @!p1 $0x1082;
	[sflag:s4] =	ssyncset.s32 $0xFFFFF086  }
0x25: {  	[simem:s6], [sflag:s4] =	dma.local [hbm:s3], $0xF7A  }
0x26: {  	[smem:$0x3F9A] =	sst s1;
	(tag) =	ssettag s2;
	_ =	strace s9  }
0x27: {  	s1 =	sld [smem:$0x3FAA]  }
0x28: {  	s2 =	sld [smem:$0x3FAB]  }
0x29: {  	s4 =	sld [smem:$0x3FAD]  }
0x2a: {  	p0 =	seq.s32 s5, $0x0;
	s5 =	sld [smem:$0x3FAE]  }
0x2b: {  	s6 =	sld [smem:$0x3FAF]  }
0x2c: {  	s7 =	sld [smem:$0x3FB0]  }
0x2d: {  	s3 =	simm.s32 $0x108;
	s8 =	sld [smem:$0x3FB1]  }
0x2e: {  	s3 =	simm.s32 @!p0 $0x1082;
	s9 =	sld [smem:$0x3FB2]  }
0x2f: {  	lr =	sadd.s32 s0, s3;
	s0 =	sld [smem:$0x3FA9]  }
0x30: {  	s3 =	sld [smem:$0x3FAC]  }
0x31: {  	[smem:$0x3FB5] =	sst s10  }
0x32: {  	s10 =	sld [smem:$0x3FB3];
	_ =	sdelay $0x3  }
0x33: {  	p0 =	seq.s32 s10, $0x1;
	s10 =	sld [smem:$0x3FB5];
	_ =	sdelay $0x3  }
0x34: {  	[smem:$0x3FB5] =	sst s10  }
0x35: {  	s10 =	sld [smem:$0x3FB4];
	_ =	sdelay $0x3  }
0x36: {  	p1 =	seq.s32 s10, $0x1;
	s10 =	sld [smem:$0x3FB5];
	_ =	sdelay $0x3  }
0x37: {  	[smem:$0x3FB5] =	sst s10  }
0x38: {  	s10 =	sld [smem:$0x3FB6]  }
0x39: {  	_ = 	snop;
	(pc) =	sbr.ind lr, $3  }
0x3a: {  	_ = 	snop  }
0x3b: {  	_ = 	snop  }
0x3c: {  	p2 =	seq.s32 s10, $0x1;
	s10 =	sld [smem:$0x3FB5]  }
0x3d: {  	_ =	shalt  }
0x3e: {  	_ =	shalt  }
0x3f: {  	_ =	shalt  }
0x40: {  	_ =	shalt  }
0x41: {  	_ =	shalt  }
0x42: {  	_ =	shalt  }
0x43: {  	_ =	shalt  }
0x44: {  	_ =	shalt  }
0x45: {  	_ =	shalt  }
0x46: {  	_ =	shalt  }
0x47: {  	_ =	shalt  }
0x48: {  	_ =	shalt  }
0x49: {  	_ =	shalt  }
0x4a: {  	_ =	shalt  }
0x4b: {  	_ =	shalt  }
0x4c: {  	_ =	shalt  }
0x4d: {  	_ =	shalt  }
0x4e: {  	_ =	shalt  }
0x4f: {  	_ =	shalt  }
0x50: {  	_ =	shalt  }
0x51: {  	_ =	shalt  }
0x52: {  	_ =	shalt  }
0x53: {  	_ =	shalt  }
0x54: {  	_ =	shalt  }
0x55: {  	_ =	shalt  }
0x56: {  	_ =	shalt  }
0x57: {  	_ =	shalt  }
0x58: {  	_ =	shalt  }
0x59: {  	_ =	shalt  }
0x5a: {  	_ =	shalt  }
0x5b: {  	_ =	shalt  }
0x5c: {  	_ =	shalt  }
0x5d: {  	_ =	shalt  }
0x5e: {  	_ =	shalt  }
0x5f: {  	_ =	shalt  }
0x60: {  	_ =	shalt  }
0x61: {  	_ =	shalt  }
0x62: {  	_ =	shalt  }
0x63: {  	_ =	shalt  }
0x64: {  	_ =	shalt  }
0x65: {  	_ =	shalt  }
0x66: {  	_ =	shalt  }
0x67: {  	_ =	shalt  }
0x68: {  	_ =	shalt  }
0x69: {  	_ =	shalt  }
0x6a: {  	_ =	shalt  }
0x6b: {  	_ =	shalt  }
0x6c: {  	_ =	shalt  }
0x6d: {  	_ =	shalt  }
0x6e: {  	_ =	shalt  }
0x6f: {  	_ =	shalt  }
0x70: {  	_ =	shalt  }
0x71: {  	_ =	shalt  }
0x72: {  	_ =	shalt  }
0x73: {  	_ =	shalt  }
0x74: {  	_ =	shalt  }
0x75: {  	_ =	shalt  }
0x76: {  	_ =	shalt  }
0x77: {  	_ =	shalt  }
0x78: {  	_ =	shalt  }
0x79: {  	_ =	shalt  }
0x7a: {  	_ =	shalt  }
0x7b: {  	_ =	shalt  }
0x7c: {  	_ =	shalt  }
0x7d: {  	_ =	shalt  }
0x7e: {  	_ =	shalt  }
0x7f: {  	_ =	shalt  }
0x80: {  	_ =	shalt  }
0x81: {  	_ =	shalt  }
0x82: {  	_ =	shalt  }
0x83: {  	_ =	shalt  }
0x84: {  	_ =	shalt  }
0x85: {  	_ =	shalt  }
0x86: {  	_ =	shalt  }
0x87: {  	_ =	shalt  }
.Lfunc_end0:
.L_simem_size_0:
called_computation_lowered:
.L_overlay_start_0:
0x88: {  	s2 =	sld [smem:$0x3FD9]  }
0x89: {  	s3 =	sld [smem:$0x3FFE];
	_ =	sdelay $0x1  }
0x8a: {  	s1 =	srdreg.scid  }
0x8b: {  	s0 =	sand.u32 $0x1, s1  }
0x8c: {  	s17 =	sshll.u32 s0, $0xA;
	s2 =	sadd.s32 s3, s2  }
0x8d: {  	s2 =	sadd.s32 s2, s17  }
0x8e: {  	[smem:$0x3FC1] =	sst s2  }
0x8f: {  	_ = 	snop  }
0x90: {  	s2 =	sld [smem:$0x3FC9]  }
0x91: {  	s18 =	sld [smem:$0x3FC8]  }
0x92: {  	s4 =	sld [smem:$0x3FC6]  }
0x93: {  	s5 =	sld [smem:$0x3FC5]  }
0x94: {  	s6 =	sld [smem:$0x3FC4]  }
0x95: {  	s7 =	sld [smem:$0x3FC3]  }
0x96: {  	s8 =	sld [smem:$0x3FD0];
	(tm) =	ssettm $0x1  }
0x97: {  	s9 =	sld [smem:$0x3FFB];
	_ =	sdelay $0x3  }
0x98: {  	_ =	strace s9  }
0x99: {  	s9 =	sld [smem:$0x3FFC];
	_ =	sdelay $0x3  }
0x9a: {  	_ =	strace s9  }
0x9b: {  	s9 =	sld [smem:$0x3FFD];
	_ =	sdelay $0x3  }
0x9c: {  	_ =	strace s9  }
0x9d: {  	_ =	strace $0x8FFFFFFF  }
0x9e: {  	s19 =	sld [smem:$0x3FDB];
	_ =	sdelay $0x1  }
0x9f: {  	s10 =	simm.s32 $_scs_section_size  }
0xa0: {  	s11 =	simm.s32 $_size__tile_overlayer_lowered;
	s12 =	simm.s32 $_tile_overlayer_lowered  }
0xa1: {  	s22 =	simm.s32 $0x1BFF;
	s21 =	sshll.u32 s12, $0x1;
	s9 =	sadd.s32 s10, s19  }
0xa2: {  	s13 =	simm.s32 $0x0;
	s20 =	sshll.u32 s11, $0x1;
	s11 =	sadd.s32 s21, s9  }
0xa3: {  	[timem:s13], [sflag:s22] =	dma.local [hbm:s11], s20  }
0xa4: {  	_ =	swait.ge [sflag:s22], s20  }
0xa5: {  	s10 =	ssub.s32 $0x0, s20;
	[sflag:s22] =	ssyncset.done $0x0  }
0xa6: {  	[sflag:s22] =	ssyncadd.s32 s10;
	_ =	sdelay $0x1  }
0xa7: {  	s23 =	simm.s32 $0x1B8B  }
0xa8: {  	_ =	swait.ge [sflag:s23], $0x1  }
0xa9: {  	[sflag:s23] =	ssyncset.done $0x0  }
0xaa: {  	s25 =	simm.s32 $0x1B8E;
	s24 =	sld [smem:$0x3FFE];
	[sflag:s23] =	ssyncadd.s32 $0xFFFFFFFF  }
0xab: {  	s26 =	simm.s32 $execute0_lowered;
	[smem:$0x3FD2] =	sst s25  }
0xac: {  	s11 =	sshll.u32 s26, $0x1;
	_ =	strace $0x80000046;
	[dreg:$0x1] =	wrdreg $0xFFFFFFFF  }
0xad: {  	s28 =	simm.s32 $_size_execute0_lowered;
	s9 =	sadd.s32 s9, s11;
	[dreg:$0x0] =	wrdreg $0x0  }
0xae: {  	s11 =	sshll.u32 s28, $0x1;
	[dreg:$0x2] =	wrdreg s9  }
0xaf: {  	[dreg:$0x3] =	wrdreg s11  }
0xb0: {  	[dreg:$0x4] =	wrdreg $0xC0  }
0xb1: {  	_ =	task [dreg:s13], $0x5FFFF  }
0xb2: {  	[dreg:$0x1] =	wrdreg $0xFFFFFFFF  }
0xb3: {  	[dreg:$0x0] =	wrdreg $0x60  }
0xb4: {  	[dreg:$0x2] =	wrdreg s2  }
0xb5: {  	[dreg:$0x3] =	wrdreg s18  }
0xb6: {  	[dreg:$0x4] =	wrdreg s4  }
0xb7: {  	[dreg:$0x5] =	wrdreg s5  }
0xb8: {  	[dreg:$0x6] =	wrdreg s6  }
0xb9: {  	[dreg:$0x7] =	wrdreg s7  }
0xba: {  	[dreg:$0x8] =	wrdreg s8  }
0xbb: {  	[dreg:$0x9] =	wrdreg s24  }
0xbc: {  	[dreg:$0xa] =	wrdreg $0x9  }
0xbd: {  	_ =	task.clear_ibuf [dreg:s13], $0xBFFFF;
	_ =	strace $0x90000046  }
0xbe: {  	s29 =	simm.s32 $0x9;
	_ =	strace $0x80000048  }
0xbf: {  	_ =	swait.ge [sflag:s29], $0x1  }
0xc0: {  	[sflag:s29] =	ssyncadd.s32 $0xFFFFFFFF  }
0xc1: {  	_ =	strace $0x90000048  }
0xc2: {  	_ =	sfence  }
0xc3: {  	s30 =	sld [smem:$0x0];
	_ =	sdelay $0x2  }
0xc4: {  	s31 =	sshll.u32 s1, $0xD;
	s1 =	sshrl.u32 s1, $0x2  }
0xc5: {  	s3 =	sand.u32 $0x4000, s31;
	s1 =	sadd.s32 s1, s30  }
0xc6: {  	s0 =	sor.u32 s3, s0;
	s1 =	sshll.u32 s1, $0x11  }
0xc7: {  	s0 =	sor.u32 s1, s0  }
0xc8: {  	s0 =	sadd.s32 $0x8F2B, s0  }
0xc9: {  	[sflag:s0] =	ssyncadd.remote.s32 $0x1  }
0xca: {  	_ =	sfence.sel $0xFFFF  }
0xcb: {  	[dreg:$0x0] =	wrdreg $0xFFFFFFFF;
	(pc) =	sbr.abs _section_cstart, $3  }
0xcc: {  	[dreg:$0x1] =	wrdreg $0xFFFFFFFF  }
0xcd: {  	_ =	task.clear_ibuf [dreg:s13], $0x2FFFF;
	_ =	strace $0x9FFFFFFF  }
0xce: {  	(tm) =	ssettm $0x7FFFFFFF  }
0xcf: {  	_ =	shalt  }
tec
execute0_lowered:
.L_overlay_start_1:
0x0: {  	(tag) =	ssettag $0x1  }
0x1: {  	s1 =	rddreg [dreg:$0x0]  }
0x2: {  	s5 =	rddreg [dreg:$0x1]  }
0x3: {  	s17 =	rddreg [dreg:$0x2]  }
0x4: {  	s18 =	rddreg [dreg:$0x3]  }
0x5: {  	s21 =	rddreg [dreg:$0x4]  }
0x6: {  	s22 =	rddreg [dreg:$0x5]  }
0x7: {  	s6 =	rddreg [dreg:$0x6]  }
0x8: {  	s7 =	rddreg [dreg:$0x7]  }
0x9: {  	s8 =	srdreg.scid;
	s0 =	stileid.u32;
	s2 =	simm.s32 $0x0  }
0xa: {  	s14 =	simm.s32 $0x1;
	s4 =	simm.s32 $0x200;
	s12 =	simm.s32 $0x10200  }
0xb: {  	s28 =	simm.s32 $0x10480;
	s11 =	simm.s32 $0x4200;
	s15 =	simm.s32 $0xC200  }
0xc: {  	s16 =	simm.s32 $0x10300;
	s29 =	simm.s32 $0xE200;
	s30 =	simm.s32 $0x10380  }
0xd: {  	s31 =	simm.s32 $0x10580;
	s13 =	simm.s32 $0x2;
	s3 =	simm.s32 $0x0  }
0xe: {  	s8 =	sand.u32 $0x1, s8;
	s9 =	sshll.u32 s0, $0x5;
	[smem:$0x7FF] =	sst s2  }
0xf: {  	s10 =	sshll.u32 s8, $0x4;
	s8 =	ssub.s32 $0x2, s8;
	_ =	strace $0x80000047  }
0x10: {  	s9 =	sor.u32 s10, s9;
	s19 =	sshrl.u32 s8, $0x1;
	s10 =	simm.s32 $0xA200  }
0x11: {  	s7 =	sadd.s32 s9, s7;
	s8 =	ssub.s32 s8, s19;
	s20 =	sadd.s32 s1, s9  }
0x12: {  	s23 =	sadd.s32 s5, s9;
	s24 =	sadd.s32 s6, s9;
	[dreg:$0x9] =	wrdreg s20  }
0x13: {  	s1 =	simm.s32 $0x5;
	s19 =	simm.s32 $0x10400;
	[dreg:$0xa] =	wrdreg s23  }
0x14: {  	v0 =	vlaneseq.u32;
	[dreg:$0xb] =	wrdreg s24;
	s25 =	sadd.s32 $0xC00, s7;
	s26 =	smax.u32 s8, $0x1  }
0x15: {  	v1 =	vmul.u32 $0x80, v0;
	s20 =	simm.s32 $0x8200;
	s24 =	simm.s32 $0x10280;
	s23 =	simm.s32 $0x10500  }
0x16: {  	s7 =	simm.s32 $0x3;
	s8 =	simm.s32 $0x4;
	[dreg:$0xc] =	wrdreg s25  }
0x17: {  	v2 =	vor.u32 $0x800, v1;
	v3 =	vor.u32 $0x1000, v1;
	v4 =	vor.u32 $0x1800, v1;
	[dreg:$0xd] =	wrdreg s26;
	s25 =	simm.s32 $0x2200;
	s26 =	simm.s32 $0x6200  }
.LBB2_1:
0x18: {  	[dreg:$0xe] =	wrdreg s3  }
0x19: {  	s0 =	rddreg [dreg:$0x9]  }
0x1a: {  	[tilespmem:s2], [sflag:$0x5] =	stream.linear.gather [hbm4b:s0+s2], $0x80, $0x38;
	[tilespmem:$0x10700] =	vst v63  }
0x1b: {  	_ =	swait.ge [sflag:s1], $0x80  }
0x1c: {  	[sflag:s1] =	ssyncset.done $0x0  }
0x1d: {  	s6 =	simm.s32 $0x100;
	s5 =	rddreg [dreg:$0xa];
	[sflag:s1] =	ssyncadd.s32 $0xFFFFFF80  }
0x1e: {  	[tilespmem:s6], [sflag:$0x5] =	stream.linear.gather [hbm4b:s5+s2], $0x80, $0x38;
	[tilespmem:$0x10700] =	vst v63  }
0x1f: {  	_ =	swait.ge [sflag:s1], $0x80  }
0x20: {  	[sflag:s1] =	ssyncset.done $0x0  }
0x21: {  	[sflag:s1] =	ssyncadd.s32 $0xFFFFFF80  }
0x22: {  	v5 =	vld [tilespmem:$0x0];
	_ =	sdelay $0x1  }
0x23: {  	v6 =	vld [tilespmem:$0x100];
	_ =	sdelay $0x2  }
0x24: {  	(v2sf) =	vpush v5, $0x0;
	_ =	sdelay $0x1  }
0x25: {  	(v2sf) =	vpush v6, $0x0;
	_ =	sdelay $0xc  }
0x26: {  	s9 =	spop (v2sf)  }
0x27: {  	s5 =	sshra.s32 s9, $0x1F;
	s6 =	sand.u32 $0x7F, s9;
	p0 =	slt.s32 s9, $0x1  }
0x28: {  	s5 =	sshrl.u32 s5, $0x19;
	p1 =	sne.s32 s6, $0x0;
	s6 =	spop (v2sf)  }
0x29: {  	s1 =	sadd.s32 s5, s9;
	p0 =	por !p0, !p1;
	s0 =	sand.u32 $0x7F, s6  }
0x2a: {  	s9 =	simm.s32 $0x1;
	s3 =	sshra.s32 s6, $0x1F;
	p4 =	slt.s32 s6, $0x1  }
0x2b: {  	s1 =	sshra.s32 s1, $0x7;
	p0 =	por !p0, !p0;
	p3 =	sne.s32 s0, $0x0  }
0x2c: {  	(v2sf) =	vpush v5, $0x1;
	s5 =	sshrl.u32 s3, $0x19;
	s0 =	simm.s32 $0x400;
	s9 =	simm.s32 @!p0 $0x0  }
0x2d: {  	s5 =	sadd.s32 s5, s6;
	p0 =	por !p4, !p3;
	s1 =	ssub.s32 s1, s9  }
0x2e: {  	s6 =	simm.s32 $0x1;
	p0 =	por !p0, !p0;
	s9 =	sshll.u32 s1, $0x7  }
0x2f: {  	(v2sf) =	vpush v6, $0x1;
	s5 =	sshra.s32 s5, $0x7;
	s6 =	simm.s32 @!p0 $0x0;
	s9 =	sand.u32 $0x1FFFFF80, s9  }
0x30: {  	s3 =	simm.s32 $0x7A1400;
	s5 =	ssub.s32 s5, s6;
	s9 =	sadd.s32 s17, s9  }
0x31: {  	[tilespmem:s4], [sflag:$0x1] =	stream.strided.gather [hbm4b:s9+s0], $0x2000, s3, s0, $0x38;
	[tilespmem:$0x10700] =	vst v63  }
0x32: {  	s9 =	sshll.u32 s5, $0x7  }
0x33: {  	s1 =	sshll.u32 s1, $0x4;
	s6 =	sand.u32 $0x1FFFFF80, s9  }
0x34: {  	s1 =	sand.u32 $0x1FFFFFF0, s1;
	s6 =	sadd.s32 s18, s6  }
0x35: {  	[tilespmem:s20], [sflag:$0x1] =	stream.strided.gather [hbm4b:s6+s0], $0x2000, s3, s0, $0x38;
	[tilespmem:$0x10700] =	vst v63  }
0x36: {  	s1 =	sadd.s32 s21, s1;
	s5 =	sshll.u32 s5, $0x4  }
0x37: {  	[tilespmem:s12], [sflag:$0x1] =	stream.linear.gather [hbm4b:s1+s2], $0x80, $0x38;
	[tilespmem:$0x10700] =	vst v63  }
0x38: {  	s1 =	sand.u32 $0x1FFFFFF0, s5  }
0x39: {  	s1 =	sadd.s32 s22, s1  }
0x3a: {  	[tilespmem:s19], [sflag:$0x1] =	stream.linear.gather [hbm4b:s1+s2], $0x80, $0x38;
	[tilespmem:$0x10700] =	vst v63  }
0x3b: {  	s1 =	spop (v2sf)  }
0x3c: {  	s6 =	sshra.s32 s1, $0x1F;
	s9 =	sand.u32 $0x7F, s1  }
0x3d: {  	p5 =	slt.s32 s1, $0x1;
	s5 =	sshrl.u32 s6, $0x19;
	p6 =	sne.s32 s9, $0x0  }
0x3e: {  	(v2sf) =	vpush v5, $0x2;
	s6 =	spop (v2sf);
	s9 =	simm.s32 $0x1;
	s1 =	sadd.s32 s5, s1  }
0x3f: {  	p0 =	por !p5, !p6;
	s5 =	sand.u32 $0x7F, s6;
	p3 =	slt.s32 s6, $0x1  }
0x40: {  	p0 =	por !p0, !p0;
	p2 =	sne.s32 s5, $0x0;
	s5 =	sshra.s32 s6, $0x1F  }
0x41: {  	s1 =	sshra.s32 s1, $0x7;
	s9 =	simm.s32 @!p0 $0x0;
	s5 =	sshrl.u32 s5, $0x19  }
0x42: {  	(v2sf) =	vpush v6, $0x2;
	p0 =	por !p3, !p2;
	s1 =	ssub.s32 s1, s9;
	s5 =	sadd.s32 s5, s6  }
0x43: {  	p0 =	por !p0, !p0;
	s6 =	simm.s32 $0x1;
	s9 =	sshll.u32 s1, $0x7  }
0x44: {  	s5 =	sshra.s32 s5, $0x7;
	s6 =	simm.s32 @!p0 $0x0;
	s9 =	sand.u32 $0x1FFFFF80, s9  }
0x45: {  	s5 =	ssub.s32 s5, s6;
	s9 =	sadd.s32 s17, s9  }
0x46: {  	[tilespmem:s25], [sflag:$0x2] =	stream.strided.gather [hbm4b:s9+s0], $0x2000, s3, s0, $0x38;
	[tilespmem:$0x10700] =	vst v63  }
0x47: {  	s9 =	sshll.u32 s5, $0x7  }
0x48: {  	s1 =	sshll.u32 s1, $0x4;
	s6 =	sand.u32 $0x1FFFFF80, s9  }
0x49: {  	s1 =	sand.u32 $0x1FFFFFF0, s1;
	s6 =	sadd.s32 s18, s6  }
0x4a: {  	[tilespmem:s10], [sflag:$0x2] =	stream.strided.gather [hbm4b:s6+s0], $0x2000, s3, s0, $0x38;
	[tilespmem:$0x10700] =	vst v63  }
0x4b: {  	s1 =	sadd.s32 s21, s1;
	s9 =	sshll.u32 s5, $0x4  }
0x4c: {  	[tilespmem:s24], [sflag:$0x2] =	stream.linear.gather [hbm4b:s1+s2], $0x80, $0x38;
	[tilespmem:$0x10700] =	vst v63  }
0x4d: {  	s1 =	sand.u32 $0x1FFFFFF0, s9;
	s10 =	spop (v2sf)  }
0x4e: {  	s1 =	sadd.s32 s22, s1;
	s6 =	sshra.s32 s10, $0x1F;
	s9 =	sand.u32 $0x7F, s10  }
0x4f: {  	[tilespmem:s28], [sflag:$0x2] =	stream.linear.gather [hbm4b:s1+s2], $0x80, $0x38;
	[tilespmem:$0x10700] =	vst v63  }
0x50: {  	p4 =	slt.s32 s10, $0x1;
	s5 =	sshrl.u32 s6, $0x19;
	p5 =	sne.s32 s9, $0x0  }
0x51: {  	(v2sf) =	vpush v5, $0x3;
	s6 =	spop (v2sf);
	s9 =	simm.s32 $0x1;
	s1 =	sadd.s32 s5, s10  }
0x52: {  	p0 =	por !p4, !p5;
	s10 =	sand.u32 $0x7F, s6;
	p2 =	slt.s32 s6, $0x1  }
0x53: {  	p0 =	por !p0, !p0;
	p6 =	sne.s32 s10, $0x0;
	s10 =	sshra.s32 s6, $0x1F  }
0x54: {  	s1 =	sshra.s32 s1, $0x7;
	s9 =	simm.s32 @!p0 $0x0;
	s5 =	sshrl.u32 s10, $0x19  }
0x55: {  	(v2sf) =	vpush v6, $0x3;
	p0 =	por !p2, !p6;
	s1 =	ssub.s32 s1, s9;
	s5 =	sadd.s32 s5, s6  }
0x56: {  	p0 =	por !p0, !p0;
	s6 =	simm.s32 $0x1;
	s9 =	sshll.u32 s1, $0x7  }
0x57: {  	s5 =	sshra.s32 s5, $0x7;
	s6 =	simm.s32 @!p0 $0x0;
	s9 =	sand.u32 $0x1FFFFF80, s9  }
0x58: {  	s5 =	ssub.s32 s5, s6;
	s10 =	sadd.s32 s17, s9  }
0x59: {  	[tilespmem:s11], [sflag:$0x3] =	stream.strided.gather [hbm4b:s10+s0], $0x2000, s3, s0, $0x38;
	[tilespmem:$0x10700] =	vst v63  }
0x5a: {  	s11 =	sshll.u32 s5, $0x7  }
0x5b: {  	s1 =	sshll.u32 s1, $0x4;
	s6 =	sand.u32 $0x1FFFFF80, s11  }
0x5c: {  	s1 =	sand.u32 $0x1FFFFFF0, s1;
	s6 =	sadd.s32 s18, s6  }
0x5d: {  	[tilespmem:s15], [sflag:$0x3] =	stream.strided.gather [hbm4b:s6+s0], $0x2000, s3, s0, $0x38;
	[tilespmem:$0x10700] =	vst v63  }
0x5e: {  	s1 =	sadd.s32 s21, s1;
	s15 =	sshll.u32 s5, $0x4  }
0x5f: {  	[tilespmem:s16], [sflag:$0x3] =	stream.linear.gather [hbm4b:s1+s2], $0x80, $0x38;
	[tilespmem:$0x10700] =	vst v63  }
0x60: {  	s1 =	sand.u32 $0x1FFFFFF0, s15;
	s16 =	spop (v2sf)  }
0x61: {  	s6 =	simm.s32 $0x1;
	s1 =	sadd.s32 s22, s1;
	s9 =	sshra.s32 s16, $0x1F  }
0x62: {  	[tilespmem:s23], [sflag:$0x3] =	stream.linear.gather [hbm4b:s1+s2], $0x80, $0x38;
	[tilespmem:$0x10700] =	vst v63  }
0x63: {  	s10 =	sand.u32 $0x7F, s16;
	p3 =	slt.s32 s16, $0x1;
	s1 =	sshrl.u32 s9, $0x19  }
0x64: {  	p4 =	sne.s32 s10, $0x0;
	s11 =	spop (v2sf);
	s9 =	simm.s32 $0x1  }
0x65: {  	s1 =	sadd.s32 s1, s16;
	p0 =	por !p3, !p4;
	s15 =	sand.u32 $0x7F, s11  }
0x66: {  	s16 =	sshra.s32 s11, $0x1F;
	p6 =	slt.s32 s11, $0x1;
	p0 =	por !p0, !p0  }
0x67: {  	s1 =	sshra.s32 s1, $0x7;
	p5 =	sne.s32 s15, $0x0;
	s9 =	simm.s32 @!p0 $0x0  }
0x68: {  	s5 =	sshrl.u32 s16, $0x19;
	p0 =	por !p6, !p5;
	s1 =	ssub.s32 s1, s9  }
0x69: {  	s5 =	sadd.s32 s5, s11;
	p0 =	por !p0, !p0;
	s9 =	sshll.u32 s1, $0x7  }
0x6a: {  	s5 =	sshra.s32 s5, $0x7;
	s6 =	simm.s32 @!p0 $0x0;
	s9 =	sand.u32 $0x1FFFFF80, s9  }
0x6b: {  	s5 =	ssub.s32 s5, s6;
	s23 =	sadd.s32 s17, s9  }
0x6c: {  	[tilespmem:s26], [sflag:$0x4] =	stream.strided.gather [hbm4b:s23+s0], $0x2000, s3, s0, $0x38;
	[tilespmem:$0x10700] =	vst v63  }
0x6d: {  	s26 =	sshll.u32 s5, $0x7  }
0x6e: {  	s1 =	sshll.u32 s1, $0x4;
	s6 =	sand.u32 $0x1FFFFF80, s26  }
0x6f: {  	s1 =	sand.u32 $0x1FFFFFF0, s1;
	s6 =	sadd.s32 s18, s6  }
0x70: {  	[tilespmem:s29], [sflag:$0x4] =	stream.strided.gather [hbm4b:s6+s0], $0x2000, s3, s0, $0x38;
	[tilespmem:$0x10700] =	vst v63  }
0x71: {  	s1 =	sadd.s32 s21, s1  }
0x72: {  	[tilespmem:s30], [sflag:$0x4] =	stream.linear.gather [hbm4b:s1+s2], $0x80, $0x38;
	[tilespmem:$0x10700] =	vst v63  }
0x73: {  	s30 =	sshll.u32 s5, $0x4  }
0x74: {  	s10 =	simm.s32 $0x104;
	s1 =	sand.u32 $0x1FFFFFF0, s30  }
0x75: {  	s15 =	simm.s32 $0x0;
	s16 =	simm.s32 $0x0;
	s1 =	sadd.s32 s22, s1  }
0x76: {  	[tilespmem:s31], [sflag:$0x4] =	stream.linear.gather [hbm4b:s1+s2], $0x80, $0x38;
	[tilespmem:$0x10700] =	vst v63  }
0x77: {  	v5 =	vimm.f32 $0.0e+00;
	v6 =	vimm.f32 $0.0e+00;
	s11 =	simm.s32 $0x4;
	s26 =	simm.s32 $0xE200;
	s31 =	simm.s32 $0xC200  }
.LBB2_2:
0x78: {  	v9 =	vld [tilespmem:s11+$0xFFFFFFFC]  }
0x79: {  	v10 =	vld [tilespmem:s10+$0xFFFFFFFC]  }
0x7a: {  	v7 =	vld [tilespmem:s11+$0x0]  }
0x7b: {  	v8 =	vld [tilespmem:s10+$0x0];
	_ =	swait.ge [sflag:s14], $0x2000  }
0x7c: {  	[sflag:s14] =	ssyncset.done $0x0  }
0x7d: {  	[sflag:s14] =	ssyncadd.s32 $0xFFFFE000  }
0x7e: {  	_ =	swait.ge [sflag:s14], $0x2000  }
0x7f: {  	[sflag:s14] =	ssyncset.done $0x0  }
0x80: {  	[sflag:s14] =	ssyncadd.s32 $0xFFFFE000  }
0x81: {  	_ =	swait.ge [sflag:s14], $0x80  }
0x82: {  	[sflag:s14] =	ssyncset.done $0x0  }
0x83: {  	[sflag:s14] =	ssyncadd.s32 $0xFFFFFF80  }
0x84: {  	_ =	swait.ge [sflag:s14], $0x80  }
0x85: {  	(v2sf) =	vpush v9, $0x0  }
0x86: {  	(v2sf) =	vpush v10, $0x0;
	_ =	sdelay $0xd  }
0x87: {  	s1 =	spop (v2sf)  }
0x88: {  	s1 =	sand.u32 $0x7F, s1;
	s5 =	spop (v2sf)  }
0x89: {  	s5 =	sand.u32 $0x7F, s5;
	v11 =	vmov s1  }
0x8a: {  	v12 =	vmov s5;
	_ =	sdelay $0x1  }
0x8b: {  	[sflag:s14] =	ssyncset.done $0x0  }
0x8c: {  	[sflag:s14] =	ssyncadd.s32 $0xFFFFFF80  }
0x8d: {  	v11 =	vld.idx.msk [tilespmem:v11+s12+$0x0], $0xffff  }
0x8e: {  	v12 =	vld.idx.msk [tilespmem:v12+s19+$0x0], $0xffff;
	_ =	sdelay $0x3  }
0x8f: {  	(v2sf) =	vpush v11, $0x0  }
0x90: {  	p0 =	seq.s32 s15, $0x7C;
	(v2sf) =	vpush v12, $0x0  }
0x91: {  	(v2sf) =	vpush @!p0 v7, $0x0;
	_ =	sdelay $0x2  }
0x92: {  	(v2sf) =	vpush @!p0 v8, $0x0  }
0x93: {  	v22 =	vor.u32 s1, v1  }
0x94: {  	v23 =	vor.u32 s5, v1  }
0x95: {  	v13 =	vor.u32 s1, v2  }
0x96: {  	v14 =	vor.u32 s5, v2  }
0x97: {  	v15 =	vor.u32 s1, v3  }
0x98: {  	v16 =	vor.u32 s5, v3;
	v11 =	vld.idx.msk [tilespmem:v22+s4+$0x0], $0xffff  }
0x99: {  	v17 =	vor.u32 s1, v4;
	v12 =	vld.idx.msk [tilespmem:v23+s20+$0x0], $0xffff  }
0x9a: {  	v18 =	vor.u32 s5, v4;
	v13 =	vld.idx.msk [tilespmem:v13+s4+$0x0], $0xffff  }
0x9b: {  	v14 =	vld.idx.msk [tilespmem:v14+s20+$0x0], $0xffff  }
0x9c: {  	v15 =	vld.idx.msk [tilespmem:v15+s4+$0x0], $0xffff;
	s6 =	spop (v2sf)  }
0x9d: {  	v16 =	vld.idx.msk [tilespmem:v16+s20+$0x0], $0xffff;
	s12 =	spop (v2sf)  }
0x9e: {  	s23 =	simm.s32 @!p0 $0x200;
	v24 =	vld.idx.msk [tilespmem:v17+s4+$0x0], $0xffff;
	v11 =	vmul.f32 v12, v11;
	s9 =	spop @!p0 (v2sf)  }
0x9f: {  	s19 =	simm.s32 @!p0 $0x1;
	v25 =	vld.idx.msk [tilespmem:v18+s20+$0x0], $0xffff;
	s1 =	sand.u32 @!p0 $0x7F, s9;
	s5 =	sshra.s32 @!p0 s9, $0x1F  }
0xa0: {  	v13 =	vmul.f32 v14, v13;
	v11 =	vadd.f32 $0.0e+00, v11;
	p1 =	slt.s32 @!p0 s9, $0x1;
	p2 =	sne.s32 @!p0 s1, $0x0;
	s5 =	sshrl.u32 @!p0 s5, $0x19  }
0xa1: {  	s1 =	spop @!p0 (v2sf);
	p1 =	por @!p0 !p1, !p2;
	s5 =	sadd.s32 @!p0 s5, s9  }
0xa2: {  	v26 =	vmul.f32 v16, v15;
	v11 =	vadd.f32 v13, v11;
	s9 =	sand.u32 @!p0 $0x7F, s1;
	s20 =	sshra.s32 @!p0 s1, $0x1F;
	p1 =	por @!p0 !p1, !p1  }
0xa3: {  	p2 =	sne.s32 @!p0 s9, $0x0;
	s5 =	sshra.s32 @!p0 s5, $0x7;
	p1 =	por !p1, p0  }
0xa4: {  	v12 =	vmul.f32 v25, v24;
	v11 =	vadd.f32 v26, v11;
	s9 =	sshrl.u32 @!p0 s20, $0x19;
	s19 =	simm.s32 @p1 $0x0;
	p1 =	slt.s32 @!p0 s1, $0x1  }
0xa5: {  	s20 =	simm.s32 @!p0 $0x7A1400;
	s1 =	sadd.s32 @!p0 s9, s1;
	p1 =	por @!p0 !p1, !p2  }
0xa6: {  	v11 =	vadd.f32 v12, v11;
	s9 =	simm.s32 @!p0 $0x1;
	s5 =	ssub.s32 @!p0 s5, s19;
	p1 =	por @!p0 !p1, !p1  }
0xa7: {  	s1 =	sshra.s32 @!p0 s1, $0x7;
	s19 =	sshll.u32 @!p0 s5, $0x7;
	p1 =	por !p1, p0  }
0xa8: {  	(xrf2) =	vadd.scan.msk.f32 $0xffff, v11;
	s5 =	sshll.u32 @!p0 s5, $0x4;
	s19 =	sand.u32 @!p0 $0x1FFFFF80, s19;
	s9 =	simm.s32 @p1 $0x0  }
0xa9: {  	s1 =	ssub.s32 @!p0 s1, s9;
	s9 =	sadd.s32 @!p0 s17, s19;
	s19 =	simm.s32 @!p0 $0x400  }
0xaa: {  	[tilespmem:s23], [sflag:$0x1] =	stream.strided.gather @!p0 [hbm4b:s9+s19], $0x2000, s20, s19, $0x38;
	[tilespmem:$0x10700] =	vst v63  }
0xab: {  	s5 =	sand.u32 @!p0 $0x1FFFFFF0, s5;
	s9 =	sshll.u32 @!p0 s1, $0x7  }
0xac: {  	s5 =	sadd.s32 @!p0 s21, s5;
	s9 =	sand.u32 @!p0 $0x1FFFFF80, s9  }
0xad: {  	s23 =	simm.s32 @!p0 $0x8200;
	s1 =	sshll.u32 @!p0 s1, $0x4;
	s9 =	sadd.s32 @!p0 s18, s9  }
0xae: {  	[tilespmem:s23], [sflag:$0x1] =	stream.strided.gather @!p0 [hbm4b:s9+s19], $0x2000, s20, s19, $0x38;
	[tilespmem:$0x10700] =	vst v63  }
0xaf: {  	s1 =	sand.u32 @!p0 $0x1FFFFFF0, s1;
	s9 =	simm.s32 @!p0 $0x0;
	s23 =	simm.s32 @!p0 $0x10200  }
0xb0: {  	[tilespmem:s23], [sflag:$0x1] =	stream.linear.gather @!p0 [hbm4b:s5+s9], $0x80, $0x38;
	[tilespmem:$0x10700] =	vst v63  }
0xb1: {  	s1 =	sadd.s32 @!p0 s22, s1;
	s5 =	simm.s32 @!p0 $0x10400  }
0xb2: {  	v11, _, _ =	vpop (xrf2);
	[tilespmem:s5], [sflag:$0x1] =	stream.linear.gather @!p0 [hbm4b:s1+s9], $0x80, $0x38;
	[tilespmem:$0x10700] =	vst v63  }
0xb3: {  	_ =	swait.ge [sflag:s13], $0x2000  }
0xb4: {  	[sflag:s13] =	ssyncset.done $0x0  }
0xb5: {  	[sflag:s13] =	ssyncadd.s32 $0xFFFFE000  }
0xb6: {  	_ =	swait.ge [sflag:s13], $0x2000  }
0xb7: {  	[sflag:s13] =	ssyncset.done $0x0  }
0xb8: {  	[sflag:s13] =	ssyncadd.s32 $0xFFFFE000  }
0xb9: {  	_ =	swait.ge [sflag:s13], $0x80  }
0xba: {  	[sflag:s13] =	ssyncset.done $0x0  }
0xbb: {  	[sflag:s13] =	ssyncadd.s32 $0xFFFFFF80  }
0xbc: {  	_ =	swait.ge [sflag:s13], $0x80  }
0xbd: {  	(v2sf) =	vpush v9, $0x1  }
0xbe: {  	(v2sf) =	vpush v10, $0x1;
	_ =	sdelay $0xd  }
0xbf: {  	s3 =	spop (v2sf)  }
0xc0: {  	s1 =	sand.u32 $0x7F, s3;
	s4 =	spop (v2sf)  }
0xc1: {  	s5 =	sand.u32 $0x7F, s4;
	v27 =	vmov s1  }
0xc2: {  	v28 =	vmov s5;
	_ =	sdelay $0x1  }
0xc3: {  	[sflag:s13] =	ssyncset.done $0x0  }
0xc4: {  	[sflag:s13] =	ssyncadd.s32 $0xFFFFFF80  }
0xc5: {  	v12 =	vld.idx.msk [tilespmem:v27+s24+$0x0], $0xffff  }
0xc6: {  	v13 =	vld.idx.msk [tilespmem:v28+s28+$0x0], $0xffff;
	_ =	sdelay $0x3  }
0xc7: {  	(v2sf) =	vpush v12, $0x0  }
0xc8: {  	(v2sf) =	vpush v13, $0x0  }
0xc9: {  	(v2sf) =	vpush @!p0 v7, $0x1;
	_ =	sdelay $0x3  }
0xca: {  	v29 =	vor.u32 s1, v1;
	(v2sf) =	vpush @!p0 v8, $0x1  }
0xcb: {  	v30 =	vor.u32 s5, v1  }
0xcc: {  	v31 =	vor.u32 s1, v2  }
0xcd: {  	v32 =	vor.u32 s5, v2  }
0xce: {  	v33 =	vor.u32 s1, v3  }
0xcf: {  	s0 =	simm.s32 $0xA200;
	v34 =	vor.u32 s5, v3;
	v12 =	vld.idx.msk [tilespmem:v29+s25+$0x0], $0xffff  }
0xd0: {  	v35 =	vor.u32 s1, v4;
	v13 =	vld.idx.msk [tilespmem:v30+s0+$0x0], $0xffff  }
0xd1: {  	v19 =	vor.u32 s5, v4;
	v14 =	vld.idx.msk [tilespmem:v31+s25+$0x0], $0xffff  }
0xd2: {  	v15 =	vld.idx.msk [tilespmem:v32+s0+$0x0], $0xffff  }
0xd3: {  	v16 =	vld.idx.msk [tilespmem:v33+s25+$0x0], $0xffff;
	s23 =	spop (v2sf)  }
0xd4: {  	v17 =	vld.idx.msk [tilespmem:v34+s0+$0x0], $0xffff;
	s24 =	spop (v2sf)  }
0xd5: {  	v36 =	vld.idx.msk [tilespmem:v35+s25+$0x0], $0xffff;
	v12 =	vmul.f32 v13, v12;
	s1 =	spop @!p0 (v2sf)  }
0xd6: {  	v37 =	vld.idx.msk [tilespmem:v19+s0+$0x0], $0xffff;
	s5 =	sand.u32 @!p0 $0x7F, s1  }
0xd7: {  	v14 =	vmul.f32 v15, v14;
	v12 =	vadd.f32 $0.0e+00, v12;
	p1 =	slt.s32 @!p0 s1, $0x1;
	s28 =	sshra.s32 @!p0 s1, $0x1F;
	p2 =	sne.s32 @!p0 s5, $0x0  }
0xd8: {  	s29 =	simm.s32 @!p0 $0x1;
	s28 =	sshrl.u32 @!p0 s28, $0x19;
	p1 =	por @!p0 !p1, !p2  }
0xd9: {  	v38 =	vmul.f32 v17, v16;
	v12 =	vadd.f32 v14, v12;
	s5 =	spop @!p0 (v2sf);
	s1 =	sadd.s32 @!p0 s28, s1;
	p1 =	por @!p0 !p1, !p1  }
0xda: {  	s28 =	sand.u32 @!p0 $0x7F, s5;
	s0 =	sshra.s32 @!p0 s5, $0x1F;
	p1 =	por !p1, p0  }
0xdb: {  	v13 =	vmul.f32 v37, v36;
	v12 =	vadd.f32 v38, v12;
	p2 =	sne.s32 @!p0 s28, $0x0;
	s29 =	simm.s32 @p1 $0x0;
	p1 =	slt.s32 @!p0 s5, $0x1  }
0xdc: {  	s1 =	sshra.s32 @!p0 s1, $0x7;
	s0 =	sshrl.u32 @!p0 s0, $0x19;
	p1 =	por @!p0 !p1, !p2  }
0xdd: {  	v12 =	vadd.f32 v13, v12;
	s0 =	sadd.s32 @!p0 s0, s5;
	s1 =	ssub.s32 @!p0 s1, s29;
	p1 =	por @!p0 !p1, !p1  }
0xde: {  	s5 =	simm.s32 @!p0 $0x1;
	s28 =	sshll.u32 @!p0 s1, $0x7;
	p1 =	por !p1, p0  }
0xdf: {  	(xrf2) =	vadd.scan.msk.f32 $0xffff, v12;
	s0 =	sshra.s32 @!p0 s0, $0x7;
	s28 =	sand.u32 @!p0 $0x1FFFFF80, s28;
	s5 =	simm.s32 @p1 $0x0  }
0xe0: {  	s0 =	ssub.s32 @!p0 s0, s5;
	s5 =	sadd.s32 @!p0 s17, s28;
	s28 =	simm.s32 @!p0 $0x2200  }
0xe1: {  	[tilespmem:s28], [sflag:$0x2] =	stream.strided.gather @!p0 [hbm4b:s5+s19], $0x2000, s20, s19, $0x38;
	[tilespmem:$0x10700] =	vst v63  }
0xe2: {  	s1 =	sshll.u32 @!p0 s1, $0x4;
	s5 =	sshll.u32 @!p0 s0, $0x7  }
0xe3: {  	s1 =	sand.u32 @!p0 $0x1FFFFFF0, s1;
	s5 =	sand.u32 @!p0 $0x1FFFFF80, s5  }
0xe4: {  	s28 =	simm.s32 @!p0 $0xA200;
	s0 =	sshll.u32 @!p0 s0, $0x4;
	s5 =	sadd.s32 @!p0 s18, s5  }
0xe5: {  	[tilespmem:s28], [sflag:$0x2] =	stream.strided.gather @!p0 [hbm4b:s5+s19], $0x2000, s20, s19, $0x38;
	[tilespmem:$0x10700] =	vst v63  }
0xe6: {  	s1 =	sadd.s32 @!p0 s21, s1;
	s0 =	sand.u32 @!p0 $0x1FFFFFF0, s0;
	s5 =	simm.s32 @!p0 $0x10280  }
0xe7: {  	[tilespmem:s5], [sflag:$0x2] =	stream.linear.gather @!p0 [hbm4b:s1+s9], $0x80, $0x38;
	[tilespmem:$0x10700] =	vst v63  }
0xe8: {  	s0 =	sadd.s32 @!p0 s22, s0;
	s1 =	simm.s32 @!p0 $0x10480  }
0xe9: {  	v12, _, _ =	vpop (xrf2);
	[tilespmem:s1], [sflag:$0x2] =	stream.linear.gather @!p0 [hbm4b:s0+s9], $0x80, $0x38;
	[tilespmem:$0x10700] =	vst v63  }
0xea: {  	_ =	swait.ge [sflag:s7], $0x2000  }
0xeb: {  	[sflag:s7] =	ssyncset.done $0x0  }
0xec: {  	[sflag:s7] =	ssyncadd.s32 $0xFFFFE000  }
0xed: {  	_ =	swait.ge [sflag:s7], $0x2000  }
0xee: {  	[sflag:s7] =	ssyncset.done $0x0  }
0xef: {  	[sflag:s7] =	ssyncadd.s32 $0xFFFFE000  }
0xf0: {  	_ =	swait.ge [sflag:s7], $0x80  }
0xf1: {  	[sflag:s7] =	ssyncset.done $0x0  }
0xf2: {  	[sflag:s7] =	ssyncadd.s32 $0xFFFFFF80  }
0xf3: {  	_ =	swait.ge [sflag:s7], $0x80  }
0xf4: {  	(v2sf) =	vpush v9, $0x2  }
0xf5: {  	(v2sf) =	vpush v10, $0x2;
	_ =	sdelay $0xd  }
0xf6: {  	s5 =	spop (v2sf)  }
0xf7: {  	s0 =	sand.u32 $0x7F, s5;
	s25 =	spop (v2sf)  }
0xf8: {  	s1 =	sand.u32 $0x7F, s25;
	v39 =	vmov s0  }
0xf9: {  	v40 =	vmov s1;
	_ =	sdelay $0x1  }
0xfa: {  	[sflag:s7] =	ssyncset.done $0x0  }
0xfb: {  	s2 =	simm.s32 $0x10300;
	[sflag:s7] =	ssyncadd.s32 $0xFFFFFF80  }
0xfc: {  	s29 =	simm.s32 $0x10500;
	v13 =	vld.idx.msk [tilespmem:v39+s2+$0x0], $0xffff  }
0xfd: {  	v14 =	vld.idx.msk [tilespmem:v40+s29+$0x0], $0xffff;
	_ =	sdelay $0x3  }
0xfe: {  	(v2sf) =	vpush v13, $0x0  }
0xff: {  	(v2sf) =	vpush v14, $0x0  }
0x100: {  	(v2sf) =	vpush @!p0 v7, $0x2;
	_ =	sdelay $0x3  }
0x101: {  	(v2sf) =	vpush @!p0 v8, $0x2  }
0x102: {  	v41 =	vor.u32 s0, v1  }
0x103: {  	v42 =	vor.u32 s1, v1  }
0x104: {  	v43 =	vor.u32 s0, v2  }
0x105: {  	v44 =	vor.u32 s1, v2  }
0x106: {  	s30 =	simm.s32 $0x4200;
	v45 =	vor.u32 s0, v3  }
0x107: {  	v46 =	vor.u32 s1, v3;
	v13 =	vld.idx.msk [tilespmem:v41+s30+$0x0], $0xffff  }
0x108: {  	v47 =	vor.u32 s0, v4;
	v14 =	vld.idx.msk [tilespmem:v42+s31+$0x0], $0xffff  }
0x109: {  	v20 =	vor.u32 s1, v4;
	v15 =	vld.idx.msk [tilespmem:v43+s30+$0x0], $0xffff  }
0x10a: {  	v16 =	vld.idx.msk [tilespmem:v44+s31+$0x0], $0xffff;
	s28 =	spop (v2sf)  }
0x10b: {  	v17 =	vld.idx.msk [tilespmem:v45+s30+$0x0], $0xffff;
	s29 =	spop (v2sf)  }
0x10c: {  	v18 =	vld.idx.msk [tilespmem:v46+s31+$0x0], $0xffff;
	s0 =	spop @!p0 (v2sf)  }
0x10d: {  	v48 =	vld.idx.msk [tilespmem:v47+s30+$0x0], $0xffff;
	v13 =	vmul.f32 v14, v13;
	s1 =	sand.u32 @!p0 $0x7F, s0  }
0x10e: {  	v49 =	vld.idx.msk [tilespmem:v20+s31+$0x0], $0xffff;
	p1 =	slt.s32 @!p0 s0, $0x1;
	s5 =	sshra.s32 @!p0 s0, $0x1F;
	p2 =	sne.s32 @!p0 s1, $0x0  }
0x10f: {  	s2 =	simm.s32 @!p0 $0x1;
	v15 =	vmul.f32 v16, v15;
	v13 =	vadd.f32 $0.0e+00, v13;
	s5 =	sshrl.u32 @!p0 s5, $0x19;
	p1 =	por @!p0 !p1, !p2  }
0x110: {  	s1 =	spop @!p0 (v2sf);
	s0 =	sadd.s32 @!p0 s5, s0;
	p1 =	por @!p0 !p1, !p1  }
0x111: {  	v50 =	vmul.f32 v18, v17;
	v13 =	vadd.f32 v15, v13;
	s5 =	sand.u32 @!p0 $0x7F, s1;
	s3 =	sshra.s32 @!p0 s1, $0x1F;
	p1 =	por !p1, p0  }
0x112: {  	p2 =	sne.s32 @!p0 s5, $0x0;
	s2 =	simm.s32 @p1 $0x0;
	p1 =	slt.s32 @!p0 s1, $0x1  }
0x113: {  	v14 =	vmul.f32 v49, v48;
	v13 =	vadd.f32 v50, v13;
	s0 =	sshra.s32 @!p0 s0, $0x7;
	s3 =	sshrl.u32 @!p0 s3, $0x19;
	p1 =	por @!p0 !p1, !p2  }
0x114: {  	s1 =	sadd.s32 @!p0 s3, s1;
	s0 =	ssub.s32 @!p0 s0, s2;
	p1 =	por @!p0 !p1, !p1  }
0x115: {  	v13 =	vadd.f32 v14, v13;
	s2 =	simm.s32 @!p0 $0x1;
	s3 =	sshll.u32 @!p0 s0, $0x7;
	p1 =	por !p1, p0  }
0x116: {  	s1 =	sshra.s32 @!p0 s1, $0x7;
	s3 =	sand.u32 @!p0 $0x1FFFFF80, s3;
	s2 =	simm.s32 @p1 $0x0  }
0x117: {  	(xrf2) =	vadd.scan.msk.f32 $0xffff, v13;
	s1 =	ssub.s32 @!p0 s1, s2;
	s2 =	sadd.s32 @!p0 s17, s3;
	s3 =	simm.s32 @!p0 $0x4200  }
0x118: {  	[tilespmem:s3], [sflag:$0x3] =	stream.strided.gather @!p0 [hbm4b:s2+s19], $0x2000, s20, s19, $0x38;
	[tilespmem:$0x10700] =	vst v63  }
0x119: {  	s2 =	sshll.u32 @!p0 s1, $0x7  }
0x11a: {  	s0 =	sshll.u32 @!p0 s0, $0x4;
	s2 =	sand.u32 @!p0 $0x1FFFFF80, s2  }
0x11b: {  	s0 =	sand.u32 @!p0 $0x1FFFFFF0, s0;
	s3 =	simm.s32 @!p0 $0xC200;
	s2 =	sadd.s32 @!p0 s18, s2  }
0x11c: {  	[tilespmem:s3], [sflag:$0x3] =	stream.strided.gather @!p0 [hbm4b:s2+s19], $0x2000, s20, s19, $0x38;
	[tilespmem:$0x10700] =	vst v63  }
0x11d: {  	s0 =	sadd.s32 @!p0 s21, s0;
	s2 =	simm.s32 @!p0 $0x10300  }
0x11e: {  	[tilespmem:s2], [sflag:$0x3] =	stream.linear.gather @!p0 [hbm4b:s0+s9], $0x80, $0x38;
	[tilespmem:$0x10700] =	vst v63  }
0x11f: {  	s0 =	sshll.u32 @!p0 s1, $0x4  }
0x120: {  	s0 =	sand.u32 @!p0 $0x1FFFFFF0, s0  }
0x121: {  	s1 =	simm.s32 @!p0 $0x10500;
	s0 =	sadd.s32 @!p0 s22, s0  }
0x122: {  	v13, _, _ =	vpop (xrf2);
	[tilespmem:s1], [sflag:$0x3] =	stream.linear.gather @!p0 [hbm4b:s0+s9], $0x80, $0x38;
	[tilespmem:$0x10700] =	vst v63  }
0x123: {  	_ =	swait.ge [sflag:s8], $0x2000  }
0x124: {  	[sflag:s8] =	ssyncset.done $0x0  }
0x125: {  	[sflag:s8] =	ssyncadd.s32 $0xFFFFE000  }
0x126: {  	_ =	swait.ge [sflag:s8], $0x2000  }
0x127: {  	[sflag:s8] =	ssyncset.done $0x0  }
0x128: {  	[sflag:s8] =	ssyncadd.s32 $0xFFFFE000  }
0x129: {  	_ =	swait.ge [sflag:s8], $0x80  }
0x12a: {  	[sflag:s8] =	ssyncset.done $0x0  }
0x12b: {  	[sflag:s8] =	ssyncadd.s32 $0xFFFFFF80  }
0x12c: {  	_ =	swait.ge [sflag:s8], $0x80  }
0x12d: {  	(v2sf) =	vpush v9, $0x3  }
0x12e: {  	(v2sf) =	vpush v10, $0x3;
	_ =	sdelay $0xd  }
0x12f: {  	s2 =	spop (v2sf)  }
0x130: {  	s0 =	sand.u32 $0x7F, s2;
	s3 =	spop (v2sf)  }
0x131: {  	s2 =	sand.u32 $0x7F, s3;
	v51 =	vmov s0  }
0x132: {  	v52 =	vmov s2;
	_ =	sdelay $0x1  }
0x133: {  	[sflag:s8] =	ssyncset.done $0x0  }
0x134: {  	s4 =	simm.s32 $0x10380;
	[sflag:s8] =	ssyncadd.s32 $0xFFFFFF80  }
0x135: {  	s5 =	simm.s32 $0x10580;
	v9 =	vld.idx.msk [tilespmem:v51+s4+$0x0], $0xffff  }
0x136: {  	v10 =	vld.idx.msk [tilespmem:v52+s5+$0x0], $0xffff;
	_ =	sdelay $0x3  }
0x137: {  	(v2sf) =	vpush v9, $0x0  }
0x138: {  	(v2sf) =	vpush v10, $0x0  }
0x139: {  	(v2sf) =	vpush @!p0 v7, $0x3;
	_ =	sdelay $0x1  }
0x13a: {  	(v2sf) =	vpush @!p0 v8, $0x3;
	_ =	sdelay $0x6  }
0x13b: {  	v7 =	vor.u32 s0, v1  }
0x13c: {  	v8 =	vor.u32 s2, v1  }
0x13d: {  	v53 =	vor.u32 s0, v2  }
0x13e: {  	v54 =	vor.u32 s2, v2  }
0x13f: {  	s6 =	sadd.f32 s12, s6;
	s30 =	simm.s32 $0x6200;
	v55 =	vor.u32 s0, v3;
	s1 =	spop (v2sf)  }
0x140: {  	s23 =	sadd.f32 s24, s23;
	s25 =	smov.u32 s22;
	v56 =	vor.u32 s2, v3;
	v7 =	vld.idx.msk [tilespmem:v7+s30+$0x0], $0xffff;
	s5 =	spop (v2sf)  }
0x141: {  	s22 =	smov.u32 s21;
	s21 =	smov.u32 s18;
	v58 =	vor.u32 s2, v4;
	v8 =	vld.idx.msk [tilespmem:v8+s26+$0x0], $0xffff;
	s3 =	spop @!p0 (v2sf)  }
0x142: {  	s18 =	smov.u32 s17;
	v57 =	vor.u32 s0, v4;
	v9 =	vld.idx.msk [tilespmem:v53+s30+$0x0], $0xffff;
	s4 =	sshra.s32 @!p0 s3, $0x1F;
	s17 =	sand.u32 @!p0 $0x7F, s3  }
0x143: {  	v10 =	vld.idx.msk [tilespmem:v54+s26+$0x0], $0xffff;
	p1 =	slt.s32 @!p0 s3, $0x1;
	s2 =	spop @!p0 (v2sf);
	p2 =	sne.s32 @!p0 s17, $0x0  }
0x144: {  	v14 =	vld.idx.msk [tilespmem:v55+s30+$0x0], $0xffff;
	s0 =	sshrl.u32 @!p0 s4, $0x19;
	s17 =	smov.u32 s18;
	p1 =	por @!p0 !p1, !p2  }
0x145: {  	v15 =	vld.idx.msk [tilespmem:v56+s26+$0x0], $0xffff;
	s4 =	sand.u32 @!p0 $0x7F, s2;
	s0 =	sadd.s32 @!p0 s0, s3;
	p1 =	por @!p0 !p1, !p1  }
0x146: {  	v59 =	vld.idx.msk [tilespmem:v58+s26+$0x0], $0xffff;
	v7 =	vmul.f32 v8, v7;
	s3 =	simm.s32 @!p0 $0x1;
	p2 =	sne.s32 @!p0 s4, $0x0;
	p1 =	por !p1, p0  }
0x147: {  	v8 =	vld.idx.msk [tilespmem:v57+s30+$0x0], $0xffff;
	s0 =	sshra.s32 @!p0 s0, $0x7;
	s3 =	simm.s32 @p1 $0x0;
	p1 =	slt.s32 @!p0 s2, $0x1  }
0x148: {  	v9 =	vmul.f32 v10, v9;
	v7 =	vadd.f32 $0.0e+00, v7;
	s0 =	ssub.s32 @!p0 s0, s3;
	s3 =	sshra.s32 @!p0 s2, $0x1F;
	p1 =	por @!p0 !p1, !p2  }
0x149: {  	s4 =	simm.s32 @!p0 $0x1;
	s3 =	sshrl.u32 @!p0 s3, $0x19;
	p1 =	por @!p0 !p1, !p1  }
0x14a: {  	v60 =	vmul.f32 v15, v14;
	v7 =	vadd.f32 v9, v7;
	s2 =	sadd.s32 @!p0 s3, s2;
	p1 =	por !p1, p0;
	s3 =	sshll.u32 @!p0 s0, $0x7  }
0x14b: {  	s2 =	sshra.s32 @!p0 s2, $0x7;
	s4 =	simm.s32 @p1 $0x0;
	s3 =	sand.u32 @!p0 $0x1FFFFF80, s3  }
0x14c: {  	v8 =	vmul.f32 v59, v8;
	v7 =	vadd.f32 v60, v7;
	s2 =	ssub.s32 @!p0 s2, s4;
	s3 =	sadd.s32 @!p0 s17, s3;
	s4 =	simm.s32 @!p0 $0x6200  }
0x14d: {  	[tilespmem:s4], [sflag:$0x4] =	stream.strided.gather @!p0 [hbm4b:s3+s19], $0x2000, s20, s19, $0x38;
	[tilespmem:$0x10700] =	vst v63  }
0x14e: {  	s18 =	smov.u32 s21;
	v7 =	vadd.f32 v8, v7;
	s0 =	sshll.u32 @!p0 s0, $0x4;
	s3 =	sshll.u32 @!p0 s2, $0x7  }
0x14f: {  	s21 =	smov.u32 s22;
	s0 =	sand.u32 @!p0 $0x1FFFFFF0, s0;
	s3 =	sand.u32 @!p0 $0x1FFFFF80, s3  }
0x150: {  	(xrf2) =	vadd.scan.msk.f32 $0xffff, v7;
	s0 =	sadd.s32 @!p0 s21, s0;
	s4 =	simm.s32 @!p0 $0xE200;
	s3 =	sadd.s32 @!p0 s18, s3  }
0x151: {  	[tilespmem:s4], [sflag:$0x4] =	stream.strided.gather @!p0 [hbm4b:s3+s19], $0x2000, s20, s19, $0x38;
	[tilespmem:$0x10700] =	vst v63  }
0x152: {  	s2 =	sshll.u32 @!p0 s2, $0x4;
	s3 =	sand.u32 $0x3, s16;
	s4 =	simm.s32 @!p0 $0x10380  }
0x153: {  	[tilespmem:s4], [sflag:$0x4] =	stream.linear.gather @!p0 [hbm4b:s0+s9], $0x80, $0x38;
	[tilespmem:$0x10700] =	vst v63  }
0x154: {  	s22 =	smov.u32 s25;
	s2 =	sand.u32 @!p0 $0x1FFFFFF0, s2;
	s0 =	sshll.u32 s3, $0x2  }
0x155: {  	s2 =	sadd.s32 @!p0 s22, s2;
	s4 =	simm.s32 @!p0 $0x10580;
	s12 =	sor.u32 $0x1, s0  }
0x156: {  	v63 =	vbroadcast v12, $0xF;
	v7 =	vmov s0;
	[tilespmem:s4], [sflag:$0x4] =	stream.linear.gather @!p0 [hbm4b:s2+s9], $0x80, $0x38;
	[tilespmem:$0x10700] =	vst v63  }
0x157: {  	s30 =	sor.u32 $0x2, s0;
	s0 =	sor.u32 $0x3, s0;
	vm0 =	veq.s32 v7, v0;
	v7 =	vbroadcast v11, $0xF;
	v8 =	vmov s12;
	p0 =	sne.s32 s3, $0x3  }
0x158: {  	v61 =	vmov s30;
	v62 =	vmov s0;
	s30 =	sadd.f32 s5, s1;
	v6 =	vsel vm0, s6, v6;
	s1 =	sand.u32 @!p0 $0x70, s15;
	s15 =	sadd.s32 $0x4, s15  }
0x159: {  	s29 =	sadd.f32 s29, s28;
	vm14 =	veq.s32 v8, v0;
	vm1 =	veq.s32 v61, v0;
	vm15 =	veq.s32 v62, v0;
	p2 =	sne.s32 s15, $0x80  }
.Ltmp0:
0x15a: {  	v5 =	vsel vm0, v7, v5;
	v7 =	vbroadcast v13, $0xF;
	v6 =	vsel vm14, s23, v6;
	v8, _, _ =	vpop (xrf2);
	(pc) =	sbr.rel @p2 .LBB2_2-.Ltmp0, $4  }
0x15b: {  	s10 =	sadd.s32 $0x4, s10;
	s11 =	sadd.s32 $0x4, s11;
	v5 =	vsel vm14, v63, v5;
	v6 =	vsel vm1, s29, v6;
	v8 =	vbroadcast v8, $0xF  }
0x15c: {  	s24 =	simm.s32 $0x10280;
	s28 =	simm.s32 $0x10480;
	s25 =	simm.s32 $0x2200;
	v5 =	vsel vm1, v7, v5;
	v6 =	vsel vm15, s30, v6  }
0x15d: {  	s19 =	simm.s32 $0x10400;
	s20 =	simm.s32 $0x8200;
	p6 =	seq.s32 s3, $0x3;
	[tilespmem:s1+$0x10680] =	vst @!p0 v6;
	v5 =	vsel vm15, v8, v5  }
0x15e: {  	s16 =	sadd.s32 $0x1, s16;
	s4 =	simm.s32 $0x200;
	s12 =	simm.s32 $0x10200;
	v6 =	vpsel p6, $0x0, v6;
	[tilespmem:s1+$0x10600] =	vst @!p0 v5;
	v5 =	vpsel p6, $0x0, v5  }
0x15f: {  	s2 =	simm.s32 $0x0;
	s0 =	rddreg [dreg:$0xb];
	s1 =	simm.s32 $0x10600  }
0x160: {  	[hbm4b:s0+s2] =	stream.linear.scatter [tilespmem:s1], [sflag:$0x5], $0x80, $0x38;
	[tilespmem:$0x10700] =	vst v63  }
0x161: {  	s1 =	simm.s32 $0x5  }
0x162: {  	_ =	swait.ge [sflag:s1], $0x80  }
0x163: {  	[sflag:s1] =	ssyncset.done $0x0  }
0x164: {  	s3 =	simm.s32 $0x10680;
	s16 =	rddreg [dreg:$0xc];
	[sflag:s1] =	ssyncadd.s32 $0xFFFFFF80  }
0x165: {  	[hbm4b:s16+s2] =	stream.linear.scatter [tilespmem:s3], [sflag:$0x5], $0x80, $0x38;
	[tilespmem:$0x10700] =	vst v63  }
0x166: {  	_ =	swait.ge [sflag:s1], $0x80  }
0x167: {  	s23 =	rddreg [dreg:$0xe]  }
0x168: {  	s26 =	rddreg [dreg:$0xd];
	s3 =	sadd.s32 $0x1, s23  }
0x169: {  	p0 =	sne.s32 s3, s26  }
.Ltmp1:
0x16a: {  	_ = 	snop;
	(pc) =	sbr.rel @p0 .LBB2_1-.Ltmp1, $4  }
0x16b: {  	s10 =	simm.s32 $0xA200;
	s11 =	simm.s32 $0x4200  }
0x16c: {  	s15 =	simm.s32 $0xC200;
	s29 =	simm.s32 $0xE200;
	s30 =	simm.s32 $0x10380  }
0x16d: {  	s31 =	simm.s32 $0x10580;
	s16 =	simm.s32 $0x10300;
	[sflag:s1] =	ssyncset.done $0x0  }
0x16e: {  	[sflag:s1] =	ssyncadd.s32 $0xFFFFFF80;
	s23 =	simm.s32 $0x10500;
	s26 =	simm.s32 $0x6200  }
0x16f: {  	_ =	sfence.sel $0x180000  }
0x170: {  	[bflag:$0x0] =	sbarrier.arrive $0xFFFF  }
0x171: {  	_ =	strace $0x90000047  }
0x172: {  	s0 =	stileid.u32;
	[bflag:$0x2] =	sbarrier.arrive $0xFFFF  }
0x173: {  	p0 =	sne.s32 s0, $0x0;
	s0 =	rddreg [dreg:$0x8]  }
0x174: {  	s0 =	sadd.s32 @!p0 $0x100000, s0  }
0x175: {  	[sflag:s0] =	ssyncadd.tile.s32 @!p0 $0x1;
	_ =	shalt  }
.Lfunc_end2:
_tile_overlayer_lowered:
.L_overlay_start_2:
0x176: {  	(tag) =	ssettag $0x2  }
0x177: {  	s0 =	rddreg [dreg:$0x0];
	s2 =	stileid.u32  }
0x178: {  	s1 =	rddreg [dreg:$0x1];
	p0 =	sne.s32 s2, $0x0  }
0x179: {  	s3 =	rddreg [dreg:$0x2];
	[bflag:$0x3] =	sbarrier.arrive $0xFFFF;
	s2 =	simm.s32 @!p0 $0x1C05  }
0x17a: {  	[timem:s3], [sflag:s2] =	dma.local @!p0 [hbm:s0], s1  }
0x17b: {  	s0 =	simm.s32 @!p0 $0x5  }
0x17c: {  	_ =	swait.ge @!p0 [sflag:s0], s1  }
0x17d: {  	s1 =	ssub.s32 @!p0 $0x0, s1;
	[sflag:s0] =	ssyncset.done @!p0 $0x0  }
0x17e: {  	[sflag:s0] =	ssyncadd.s32 @!p0 s1  }
0x17f: {  	[bflag:$0x3] =	sbarrier.arrive $0xFFFF  }
0x180: {  	_ =	shalt  }

</sc_bundles>
